<compile_context>
chip_gen: v7x
topology: tpu7x:2x2x1
jax: 0.10.2.dev20260603
libtpu: 0.0.44.dev20260713+nightly
codegen_flags: <defaults>
</compile_context>

<pallas_src>
import functools

import jax
import jax.numpy as jnp
from jax import lax
from jax.experimental import pallas as pl
from jax.experimental.pallas import tpu as pltpu
from jax.experimental.pallas import tpu_sc as plsc

_V = 8192
_MAX_N = 4
_SEQ = 128
_SMOOTH = 1e-10
_L = 16
_CH = 32
_NCH = _SEQ // _CH



def _sc_ref_hist(ids):
  num_refs, seq = ids.shape
  mesh = plsc.VectorSubcoreMesh(core_axis_name="c", subcore_axis_name="s",
                                num_cores=1)

  @functools.partial(
      pl.kernel,
      out_type=jax.ShapeDtypeStruct((num_refs, _V), jnp.float32),
      mesh=mesh,
      compiler_params=pltpu.CompilerParams(needs_layout_passes=False,
                                           skip_device_barrier=True,
                                           disable_bounds_checks=True,
                                           disable_semaphore_checks=True),
      scratch_types=[
          pltpu.VMEM((seq,), jnp.int32),
          pltpu.VMEM((_V,), jnp.float32),
      ],
  )
  def k(ids_hbm, out_hbm, ids_v, cnt_v):
    wid = lax.axis_index("s")

    @pl.when(wid < num_refs)
    def _():
      r = wid
      pltpu.sync_copy(ids_hbm.at[r], ids_v)

      def zero_body(i, c):
        z = jnp.zeros((_L,), jnp.float32)
        for u in range(8):
          cnt_v[pl.ds(i * 8 * _L + u * _L, _L)] = z
        return c

      lax.fori_loop(0, _V // (8 * _L), zero_body, 0)

      lane = lax.broadcasted_iota(jnp.int32, (_L,), 0)
      ones = jnp.ones((_L,), jnp.float32)
      for g in range(seq // _L):
        idx = ids_v[pl.ds(g * _L, _L)]
        for l in range(_L):
          plsc.addupdate_scatter(cnt_v, [idx], ones, mask=(lane == l))

      pltpu.sync_copy(cnt_v, out_hbm.at[r])

  return k(ids)


def _tc1_body(x_hbm, out_ref, b0, b1, s0, s1):
  bufs = (b0, b1)
  sems = (s0, s1)
  copies = [
      pltpu.make_async_copy(x_hbm.at[pl.ds(i * _CH, _CH), :], bufs[i % 2],
                            sems[i % 2])
      for i in range(_NCH)
  ]
  copies[0].start()
  copies[1].start()

  tacc = None
  first_rows = None
  last_rows = None
  for i in range(_NCH):
    copies[i].wait()
    x = bufs[i % 2][...]
    m = jnp.max(x, axis=1, keepdims=True)
    e = jnp.exp(x - m)
    s = jnp.sum(e, axis=1, keepdims=True)
    d = e / s
    if i + 2 < _NCH:
      copies[i + 2].start()
    tpart = jnp.sum(d, axis=0, keepdims=True)
    tacc = tpart if tacc is None else tacc + tpart
    if i == 0:
      first_rows = [d[k:k + 1, :] for k in range(_MAX_N - 1)]
    if i == _NCH - 1:
      last_rows = [d[_CH - 1 - k:_CH - k, :] for k in range(_MAX_N - 1)]

  rows = [tacc]
  acc = jnp.zeros((1, _V), jnp.float32)
  for k in range(1, _MAX_N):
    acc = acc + first_rows[k - 1]
    rows.append(acc)
  acc = jnp.zeros((1, _V), jnp.float32)
  for k in range(1, _MAX_N):
    acc = acc + last_rows[k - 1]
    rows.append(acc)
  rows.append(jnp.zeros((1, _V), jnp.float32))
  out_ref[...] = jnp.concatenate(rows, axis=0)


def _tc1_colsums(x):
  return pl.pallas_call(
      _tc1_body,
      in_specs=[pl.BlockSpec(memory_space=pl.ANY)],
      scratch_shapes=[
          pltpu.VMEM((_CH, _V), jnp.float32),
          pltpu.VMEM((_CH, _V), jnp.float32),
          pltpu.SemaphoreType.DMA,
          pltpu.SemaphoreType.DMA,
      ],
      compiler_params=pltpu.CompilerParams(skip_device_barrier=True),
      out_shape=jax.ShapeDtypeStruct((2 * _MAX_N, _V), jnp.float32),
  )(x)


def _tc2_body(v_ref, fc_ref, ids_ref, out_ref):
  t = v_ref[0:1, :]
  zero = jnp.zeros((1, _V), jnp.float32)
  first = [zero] + [v_ref[k:k + 1, :] for k in range(1, _MAX_N)]
  last = [zero] + [v_ref[_MAX_N - 1 + k:_MAX_N + k, :]
                   for k in range(1, _MAX_N)]

  num_refs = fc_ref.shape[0]
  iota = lax.broadcasted_iota(jnp.int32, (1, _V), 1)
  g = []
  h = []
  for r in range(num_refs):
    gr = [zero]
    hr = [zero]
    for k in range(1, _MAX_N):
      gr.append(gr[-1] + (iota == ids_ref[r, k - 1]).astype(jnp.float32))
      hr.append(hr[-1] + (iota == ids_ref[r, _SEQ - k]).astype(jnp.float32))
    g.append(gr)
    h.append(hr)

  logp = jnp.float32(0.0)
  for n in range(1, _MAX_N + 1):
    cacc = zero
    macc = zero
    for j in range(n):
      c = t - first[j] - last[n - 1 - j]
      rmax = None
      for r in range(num_refs):
        rc = fc_ref[r:r + 1, :] - g[r][j] - h[r][n - 1 - j]
        rmax = rc if rmax is None else jnp.maximum(rmax, rc)
      cacc = cacc + c
      macc = macc + jnp.minimum(c, rmax)
    tclip = jnp.sum(macc)
    tcand = jnp.sum(cacc)
    prec = (tclip + _SMOOTH) / (tcand + _SMOOTH)
    logp = logp + jnp.log(jnp.maximum(prec, _SMOOTH))
  out_ref[...] = jnp.exp(logp / _MAX_N)[None, None]


def _tc2_combine(v, fc, ids):
  return pl.pallas_call(
      _tc2_body,
      in_specs=[
          pl.BlockSpec(memory_space=pltpu.VMEM),
          pl.BlockSpec(memory_space=pltpu.VMEM),
          pl.BlockSpec(memory_space=pltpu.SMEM),
      ],
      compiler_params=pltpu.CompilerParams(skip_device_barrier=True),
      out_shape=jax.ShapeDtypeStruct((1, 1), jnp.float32),
  )(v, fc, ids)


@jax.jit
def kernel(candidate_input, reference_ids_list):
  fc = _sc_ref_hist(reference_ids_list)
  v = _tc1_colsums(candidate_input)
  return _tc2_combine(v, fc, reference_ids_list)[0, 0]

# --- scband reference (transcript-rebuilt; emitter-appended) ---
"""Pipeline reference for scband-differentiable-bleumodule-51445118271643 (READ-ONLY COPY).

The authoritative reference and input builder live on the scoring server;
editing this copy changes nothing except your own understanding.
"""

import jax, jax.numpy as jnp
import numpy as np

MAX_N = 4
VOCAB = 8192
SMOOTH = 1e-10


def setup_inputs(seed: int = 0) -> dict:
    key = jax.random.key(seed)
    k1, k2 = jax.random.split(key)
    candidate_input = jax.random.normal(k1, (128, VOCAB), dtype=jnp.float32)
    reference_ids_list = jax.random.randint(k2, (2, 128), 0, VOCAB, dtype=jnp.int32)
    return {"candidate_input": candidate_input, "reference_ids_list": reference_ids_list}


def _bleu_forward(candidate_input, reference_ids_list):
    V = VOCAB
    max_n = MAX_N
    # eval mode, temperature==1.0 -> plain softmax over vocab
    dists = jax.nn.softmax(candidate_input, axis=-1)
    seq_len = dists.shape[0]
    cand_len = jnp.asarray(seq_len, dtype=jnp.float32)
    num_refs, ref_len = reference_ids_list.shape
    ref_lens = jnp.full((num_refs,), float(ref_len), dtype=jnp.float32)
    len_diffs = jnp.abs(ref_lens - cand_len)
    closest_idx = jnp.argmin(len_diffs)
    closest_ref_len = ref_lens[closest_idx]
    bp = jnp.where(cand_len > closest_ref_len,
                   jnp.asarray(1.0, jnp.float32),
                   jnp.exp(1.0 - closest_ref_len / jnp.clip(cand_len, SMOOTH, None)))
    # Candidate n-gram counts. Equivalent to building ngrams_3d (max_n, max_ngrams, max_n*V)
    # of flattened sliding-window distributions and mask-summing over the ngram axis:
    # slot j of the flattened count vector = sum_i dists[i+j] for valid ngram starts i.
    cand_rows = []
    for n in range(1, max_n + 1):
        num = seq_len - n + 1
        row = jnp.zeros((max_n * V,), dtype=jnp.float32)
        for j in range(n):
            row = row.at[j * V:(j + 1) * V].set(dists[j:j + num].sum(axis=0))
        cand_rows.append(row)
    cand_counts = jnp.stack(cand_rows, axis=0)  # (max_n, max_n*V)
    # Reference n-gram counts via one-hot scatter (gather/one-hot heavy, memory-bound).
    ref_onehot = jax.nn.one_hot(reference_ids_list, V, dtype=jnp.float32)  # (R, L, V)
    ref_rows = []
    for n in range(1, max_n + 1):
        num = ref_len - n + 1
        parts = []
        for j in range(max_n):
            if j < n:
                parts.append(ref_onehot[:, j:j + num].sum(axis=1))
            else:
                parts.append(jnp.zeros((num_refs, V), dtype=jnp.float32))
        ref_rows.append(jnp.concatenate(parts, axis=1))
    ref_counts = jnp.stack(ref_rows, axis=1)  # (R, max_n, max_n*V)
    max_ref_counts = ref_counts.max(axis=0)
    clipped_counts = jnp.minimum(cand_counts, max_ref_counts)
    # vocab mask matrix buffer: mask[n-1, idx] = idx < n*V
    idx = jnp.arange(max_n * V, dtype=jnp.float32)[None, :]
    thresh = (jnp.arange(1, max_n + 1, dtype=jnp.float32) * V)[:, None]
    vocab_mask_matrix = (idx < thresh).astype(jnp.float32)
    total_clipped = (clipped_counts * vocab_mask_matrix).sum(axis=1)
    total_candidate = (cand_counts * vocab_mask_matrix).sum(axis=1)
    precisions = (total_clipped + SMOOTH) / (total_candidate + SMOOTH)
    ngram_weights = jnp.ones((max_n,), dtype=jnp.float32) / max_n
    bleu = bp * jnp.exp(jnp.sum(ngram_weights * jnp.log(jnp.clip(precisions, SMOOTH, None))))
    return bleu


def reference(candidate_input, reference_ids_list):
    return _bleu_forward(candidate_input, reference_ids_list)

if __name__ == "__main__":
    import jax
    _d = setup_inputs()
    print(jax.jit(kernel)(*tuple(_d.values())))

</pallas_src>

<mosaic_0001>
#map = affine_map<(d0, d1) -> (0, 0)>
module attributes {stable_mosaic.version = 14 : i64} {
  func.func @k(%arg0: i32, %arg1: i32, %arg2: memref<2x128xi32, #tpu.memory_space<hbm>>, %arg3: memref<2x8192xf32, #tpu.memory_space<hbm>>, %arg4: memref<128xi32, #tpu.memory_space<vmem>>, %arg5: memref<8192xf32, #tpu.memory_space<vmem>>) attributes {dimension_semantics = [#tpu.dimension_semantics<core_parallel>, #tpu.dimension_semantics<subcore_parallel>], iteration_bounds = array<i64: 1, 16>, scalar_prefetch = 0 : i64, scratch_operands = 2 : i64, tpu.core_type = #tpu.core_type<sc_vector_subcore>, window_params = [{transform_indices = #map}, {transform_indices = #map}]} {
    %lt3A = arith.constant 2 : i32
    %lt3A_0 = arith.cmpi slt, %arg1, %lt3A : i32
    %convert_element_type3A = arith.extui %lt3A_0 : i1 to i32
    %cond3A = arith.constant 0 : i32
    %cond3A_1 = arith.cmpi ne, %convert_element_type3A, %cond3A : i32
    scf.if %cond3A_1 {
      "tpu.region"() ({
        %run_scoped3A = tpu.sem_alloc : memref<!tpu.dma_semaphore, #tpu.memory_space<semaphore_mem>>
        %dma_start3A = arith.constant 0 : i32
        %dma_start3A_406 = tpu.memref_slice %arg2[%arg1, %dma_start3A] : memref<2x128xi32, #tpu.memory_space<hbm>> -> memref<1x128xi32, #tpu.memory_space<hbm>>
        %dma_start3A_407 = tpu.memref_squeeze %dma_start3A_406 : memref<1x128xi32, #tpu.memory_space<hbm>> -> memref<128xi32, #tpu.memory_space<hbm>>
        %dma_start3A_408 = arith.constant 0 : i32
        %dma_start3A_409 = tpu.memref_slice %arg2[%arg1, %dma_start3A_408] : memref<2x128xi32, #tpu.memory_space<hbm>> -> memref<1x128xi32, #tpu.memory_space<hbm>>
        %dma_start3A_410 = tpu.memref_squeeze %dma_start3A_409 : memref<1x128xi32, #tpu.memory_space<hbm>> -> memref<128xi32, #tpu.memory_space<hbm>>
        tpu.enqueue_dma source(%dma_start3A_410 : memref<128xi32, #tpu.memory_space<hbm>>) target(%arg4 : memref<128xi32, #tpu.memory_space<vmem>>) target_semaphore(%run_scoped3A : memref<!tpu.dma_semaphore, #tpu.memory_space<semaphore_mem>>)
        %dma_wait3A = arith.constant 0 : i32
        %dma_wait3A_411 = tpu.memref_slice %arg2[%arg1, %dma_wait3A] : memref<2x128xi32, #tpu.memory_space<hbm>> -> memref<1x128xi32, #tpu.memory_space<hbm>>
        %dma_wait3A_412 = tpu.memref_squeeze %dma_wait3A_411 : memref<1x128xi32, #tpu.memory_space<hbm>> -> memref<128xi32, #tpu.memory_space<hbm>>
        %dma_wait3A_413 = arith.constant 0 : i32
        %dma_wait3A_414 = tpu.memref_slice %arg2[%arg1, %dma_wait3A_413] : memref<2x128xi32, #tpu.memory_space<hbm>> -> memref<1x128xi32, #tpu.memory_space<hbm>>
        %dma_wait3A_415 = tpu.memref_squeeze %dma_wait3A_414 : memref<1x128xi32, #tpu.memory_space<hbm>> -> memref<128xi32, #tpu.memory_space<hbm>>
        tpu.wait_dma2 semaphore(%run_scoped3A : memref<!tpu.dma_semaphore, #tpu.memory_space<semaphore_mem>>) src(%dma_wait3A_415 : memref<128xi32, #tpu.memory_space<hbm>>) dst(%arg4 : memref<128xi32, #tpu.memory_space<vmem>>)
        tpu.yield
      }) : () -> ()
      %scan3A = arith.constant 0 : i32
      %scan3A_2 = arith.constant 0 : i32
      %scan3A_3 = arith.constant 64 : i32
      %scan3A_4 = arith.addi %scan3A_2, %scan3A_3 : i32
      %scan3A_5 = arith.constant 1 : i32
      scf.for %scan3A_406 = %scan3A_2 to %scan3A_4 step %scan3A_5  : i32 {
        %broadcast_in_dim3A_407 = arith.constant 0.000000e+00 : f32
        %broadcast_in_dim3A_408 = vector.broadcast %broadcast_in_dim3A_407 : f32 to vector<16xf32>
        %mul3A = arith.constant 8 : i32
        %mul3A_409 = arith.muli %scan3A_406, %mul3A : i32
        %mul3A_410 = arith.constant 16 : i32
        %mul3A_411 = arith.muli %mul3A_409, %mul3A_410 : i32
        %add3A = arith.constant 0 : i32
        %add3A_412 = arith.addi %mul3A_411, %add3A : i32
        %swap3A = arith.index_cast %add3A_412 : i32 to index
        %swap3A_413 = tpu.vector_load %arg5[%swap3A] {strides = array<i32>} : memref<8192xf32, #tpu.memory_space<vmem>>, vector<16xf32>,
        tpu.vector_store %arg5[%swap3A], %broadcast_in_dim3A_408 {strides = array<i32>} : memref<8192xf32, #tpu.memory_space<vmem>>, vector<16xf32>,
        %mul3A_414 = arith.constant 8 : i32
        %mul3A_415 = arith.muli %scan3A_406, %mul3A_414 : i32
        %mul3A_416 = arith.constant 16 : i32
        %mul3A_417 = arith.muli %mul3A_415, %mul3A_416 : i32
        %add3A_418 = arith.constant 16 : i32
        %add3A_419 = arith.addi %mul3A_417, %add3A_418 : i32
        %swap3A_420 = arith.index_cast %add3A_419 : i32 to index
        %swap3A_421 = tpu.vector_load %arg5[%swap3A_420] {strides = array<i32>} : memref<8192xf32, #tpu.memory_space<vmem>>, vector<16xf32>,
        tpu.vector_store %arg5[%swap3A_420], %broadcast_in_dim3A_408 {strides = array<i32>} : memref<8192xf32, #tpu.memory_space<vmem>>, vector<16xf32>,
        %mul3A_422 = arith.constant 8 : i32
        %mul3A_423 = arith.muli %scan3A_406, %mul3A_422 : i32
        %mul3A_424 = arith.constant 16 : i32
        %mul3A_425 = arith.muli %mul3A_423, %mul3A_424 : i32
        %add3A_426 = arith.constant 32 : i32
        %add3A_427 = arith.addi %mul3A_425, %add3A_426 : i32
        %swap3A_428 = arith.index_cast %add3A_427 : i32 to index
        %swap3A_429 = tpu.vector_load %arg5[%swap3A_428] {strides = array<i32>} : memref<8192xf32, #tpu.memory_space<vmem>>, vector<16xf32>,
        tpu.vector_store %arg5[%swap3A_428], %broadcast_in_dim3A_408 {strides = array<i32>} : memref<8192xf32, #tpu.memory_space<vmem>>, vector<16xf32>,
        %mul3A_430 = arith.constant 8 : i32
        %mul3A_431 = arith.muli %scan3A_406, %mul3A_430 : i32
        %mul3A_432 = arith.constant 16 : i32
        %mul3A_433 = arith.muli %mul3A_431, %mul3A_432 : i32
        %add3A_434 = arith.constant 48 : i32
        %add3A_435 = arith.addi %mul3A_433, %add3A_434 : i32
        %swap3A_436 = arith.index_cast %add3A_435 : i32 to index
        %swap3A_437 = tpu.vector_load %arg5[%swap3A_436] {strides = array<i32>} : memref<8192xf32, #tpu.memory_space<vmem>>, vector<16xf32>,
        tpu.vector_store %arg5[%swap3A_436], %broadcast_in_dim3A_408 {strides = array<i32>} : memref<8192xf32, #tpu.memory_space<vmem>>, vector<16xf32>,
        %mul3A_438 = arith.constant 8 : i32
        %mul3A_439 = arith.muli %scan3A_406, %mul3A_438 : i32
        %mul3A_440 = arith.constant 16 : i32
        %mul3A_441 = arith.muli %mul3A_439, %mul3A_440 : i32
        %add3A_442 = arith.constant 64 : i32
        %add3A_443 = arith.addi %mul3A_441, %add3A_442 : i32
        %swap3A_444 = arith.index_cast %add3A_443 : i32 to index
        %swap3A_445 = tpu.vector_load %arg5[%swap3A_444] {strides = array<i32>} : memref<8192xf32, #tpu.memory_space<vmem>>, vector<16xf32>,
        tpu.vector_store %arg5[%swap3A_444], %broadcast_in_dim3A_408 {strides = array<i32>} : memref<8192xf32, #tpu.memory_space<vmem>>, vector<16xf32>,
        %mul3A_446 = arith.constant 8 : i32
        %mul3A_447 = arith.muli %scan3A_406, %mul3A_446 : i32
        %mul3A_448 = arith.constant 16 : i32
        %mul3A_449 = arith.muli %mul3A_447, %mul3A_448 : i32
        %add3A_450 = arith.constant 80 : i32
        %add3A_451 = arith.addi %mul3A_449, %add3A_450 : i32
        %swap3A_452 = arith.index_cast %add3A_451 : i32 to index
        %swap3A_453 = tpu.vector_load %arg5[%swap3A_452] {strides = array<i32>} : memref<8192xf32, #tpu.memory_space<vmem>>, vector<16xf32>,
        tpu.vector_store %arg5[%swap3A_452], %broadcast_in_dim3A_408 {strides = array<i32>} : memref<8192xf32, #tpu.memory_space<vmem>>, vector<16xf32>,
        %mul3A_454 = arith.constant 8 : i32
        %mul3A_455 = arith.muli %scan3A_406, %mul3A_454 : i32
        %mul3A_456 = arith.constant 16 : i32
        %mul3A_457 = arith.muli %mul3A_455, %mul3A_456 : i32
        %add3A_458 = arith.constant 96 : i32
        %add3A_459 = arith.addi %mul3A_457, %add3A_458 : i32
        %swap3A_460 = arith.index_cast %add3A_459 : i32 to index
        %swap3A_461 = tpu.vector_load %arg5[%swap3A_460] {strides = array<i32>} : memref<8192xf32, #tpu.memory_space<vmem>>, vector<16xf32>,
        tpu.vector_store %arg5[%swap3A_460], %broadcast_in_dim3A_408 {strides = array<i32>} : memref<8192xf32, #tpu.memory_space<vmem>>, vector<16xf32>,
        %mul3A_462 = arith.constant 8 : i32
        %mul3A_463 = arith.muli %scan3A_406, %mul3A_462 : i32
        %mul3A_464 = arith.constant 16 : i32
        %mul3A_465 = arith.muli %mul3A_463, %mul3A_464 : i32
        %add3A_466 = arith.constant 112 : i32
        %add3A_467 = arith.addi %mul3A_465, %add3A_466 : i32
        %swap3A_468 = arith.index_cast %add3A_467 : i32 to index
        %swap3A_469 = tpu.vector_load %arg5[%swap3A_468] {strides = array<i32>} : memref<8192xf32, #tpu.memory_space<vmem>>, vector<16xf32>,
        tpu.vector_store %arg5[%swap3A_468], %broadcast_in_dim3A_408 {strides = array<i32>} : memref<8192xf32, #tpu.memory_space<vmem>>, vector<16xf32>,
      }
      %scan3A_6 = arith.constant 64 : i32
      %iota3A = tpu.iota {dimensions = array<i32: 0>} : vector<16xi32>
      %broadcast_in_dim3A = arith.constant 1.000000e+00 : f32
      %broadcast_in_dim3A_7 = vector.broadcast %broadcast_in_dim3A : f32 to vector<16xf32>
      %get3A = arith.constant 0 : index
      %get3A_8 = tpu.vector_load %arg4[%get3A] {strides = array<i32>} : memref<128xi32, #tpu.memory_space<vmem>>, vector<16xi32>,
      %eq3A = arith.constant 0 : i32
      %eq3A_9 = vector.broadcast %eq3A : i32 to vector<16xi32>
      %eq3A_10 = arith.cmpi eq, %iota3A, %eq3A_9 : vector<16xi32>
      tpu.vector_store_idx %arg5[%get3A_8], %broadcast_in_dim3A_7 masked %eq3A_10 {add = true} : memref<8192xf32, #tpu.memory_space<vmem>>[vector<16xi32>], vector<16xf32>, vector<16xi1>
      %eq3A_11 = arith.constant 1 : i32
      %eq3A_12 = vector.broadcast %eq3A_11 : i32 to vector<16xi32>
      %eq3A_13 = arith.cmpi eq, %iota3A, %eq3A_12 : vector<16xi32>
      tpu.vector_store_idx %arg5[%get3A_8], %broadcast_in_dim3A_7 masked %eq3A_13 {add = true} : memref<8192xf32, #tpu.memory_space<vmem>>[vector<16xi32>], vector<16xf32>, vector<16xi1>
      %eq3A_14 = arith.constant 2 : i32
      %eq3A_15 = vector.broadcast %eq3A_14 : i32 to vector<16xi32>
      %eq3A_16 = arith.cmpi eq, %iota3A, %eq3A_15 : vector<16xi32>
      tpu.vector_store_idx %arg5[%get3A_8], %broadcast_in_dim3A_7 masked %eq3A_16 {add = true} : memref<8192xf32, #tpu.memory_space<vmem>>[vector<16xi32>], vector<16xf32>, vector<16xi1>
      %eq3A_17 = arith.constant 3 : i32
      %eq3A_18 = vector.broadcast %eq3A_17 : i32 to vector<16xi32>
      %eq3A_19 = arith.cmpi eq, %iota3A, %eq3A_18 : vector<16xi32>
      tpu.vector_store_idx %arg5[%get3A_8], %broadcast_in_dim3A_7 masked %eq3A_19 {add = true} : memref<8192xf32, #tpu.memory_space<vmem>>[vector<16xi32>], vector<16xf32>, vector<16xi1>
      %eq3A_20 = arith.constant 4 : i32
      %eq3A_21 = vector.broadcast %eq3A_20 : i32 to vector<16xi32>
      %eq3A_22 = arith.cmpi eq, %iota3A, %eq3A_21 : vector<16xi32>
      tpu.vector_store_idx %arg5[%get3A_8], %broadcast_in_dim3A_7 masked %eq3A_22 {add = true} : memref<8192xf32, #tpu.memory_space<vmem>>[vector<16xi32>], vector<16xf32>, vector<16xi1>
      %eq3A_23 = arith.constant 5 : i32
      %eq3A_24 = vector.broadcast %eq3A_23 : i32 to vector<16xi32>
      %eq3A_25 = arith.cmpi eq, %iota3A, %eq3A_24 : vector<16xi32>
      tpu.vector_store_idx %arg5[%get3A_8], %broadcast_in_dim3A_7 masked %eq3A_25 {add = true} : memref<8192xf32, #tpu.memory_space<vmem>>[vector<16xi32>], vector<16xf32>, vector<16xi1>
      %eq3A_26 = arith.constant 6 : i32
      %eq3A_27 = vector.broadcast %eq3A_26 : i32 to vector<16xi32>
      %eq3A_28 = arith.cmpi eq, %iota3A, %eq3A_27 : vector<16xi32>
      tpu.vector_store_idx %arg5[%get3A_8], %broadcast_in_dim3A_7 masked %eq3A_28 {add = true} : memref<8192xf32, #tpu.memory_space<vmem>>[vector<16xi32>], vector<16xf32>, vector<16xi1>
      %eq3A_29 = arith.constant 7 : i32
      %eq3A_30 = vector.broadcast %eq3A_29 : i32 to vector<16xi32>
      %eq3A_31 = arith.cmpi eq, %iota3A, %eq3A_30 : vector<16xi32>
      tpu.vector_store_idx %arg5[%get3A_8], %broadcast_in_dim3A_7 masked %eq3A_31 {add = true} : memref<8192xf32, #tpu.memory_space<vmem>>[vector<16xi32>], vector<16xf32>, vector<16xi1>
      %eq3A_32 = arith.constant 8 : i32
      %eq3A_33 = vector.broadcast %eq3A_32 : i32 to vector<16xi32>
      %eq3A_34 = arith.cmpi eq, %iota3A, %eq3A_33 : vector<16xi32>
      tpu.vector_store_idx %arg5[%get3A_8], %broadcast_in_dim3A_7 masked %eq3A_34 {add = true} : memref<8192xf32, #tpu.memory_space<vmem>>[vector<16xi32>], vector<16xf32>, vector<16xi1>
      %eq3A_35 = arith.constant 9 : i32
      %eq3A_36 = vector.broadcast %eq3A_35 : i32 to vector<16xi32>
      %eq3A_37 = arith.cmpi eq, %iota3A, %eq3A_36 : vector<16xi32>
      tpu.vector_store_idx %arg5[%get3A_8], %broadcast_in_dim3A_7 masked %eq3A_37 {add = true} : memref<8192xf32, #tpu.memory_space<vmem>>[vector<16xi32>], vector<16xf32>, vector<16xi1>
      %eq3A_38 = arith.constant 10 : i32
      %eq3A_39 = vector.broadcast %eq3A_38 : i32 to vector<16xi32>
      %eq3A_40 = arith.cmpi eq, %iota3A, %eq3A_39 : vector<16xi32>
      tpu.vector_store_idx %arg5[%get3A_8], %broadcast_in_dim3A_7 masked %eq3A_40 {add = true} : memref<8192xf32, #tpu.memory_space<vmem>>[vector<16xi32>], vector<16xf32>, vector<16xi1>
      %eq3A_41 = arith.constant 11 : i32
      %eq3A_42 = vector.broadcast %eq3A_41 : i32 to vector<16xi32>
      %eq3A_43 = arith.cmpi eq, %iota3A, %eq3A_42 : vector<16xi32>
      tpu.vector_store_idx %arg5[%get3A_8], %broadcast_in_dim3A_7 masked %eq3A_43 {add = true} : memref<8192xf32, #tpu.memory_space<vmem>>[vector<16xi32>], vector<16xf32>, vector<16xi1>
      %eq3A_44 = arith.constant 12 : i32
      %eq3A_45 = vector.broadcast %eq3A_44 : i32 to vector<16xi32>
      %eq3A_46 = arith.cmpi eq, %iota3A, %eq3A_45 : vector<16xi32>
      tpu.vector_store_idx %arg5[%get3A_8], %broadcast_in_dim3A_7 masked %eq3A_46 {add = true} : memref<8192xf32, #tpu.memory_space<vmem>>[vector<16xi32>], vector<16xf32>, vector<16xi1>
      %eq3A_47 = arith.constant 13 : i32
      %eq3A_48 = vector.broadcast %eq3A_47 : i32 to vector<16xi32>
      %eq3A_49 = arith.cmpi eq, %iota3A, %eq3A_48 : vector<16xi32>
      tpu.vector_store_idx %arg5[%get3A_8], %broadcast_in_dim3A_7 masked %eq3A_49 {add = true} : memref<8192xf32, #tpu.memory_space<vmem>>[vector<16xi32>], vector<16xf32>, vector<16xi1>
      %eq3A_50 = arith.constant 14 : i32
      %eq3A_51 = vector.broadcast %eq3A_50 : i32 to vector<16xi32>
      %eq3A_52 = arith.cmpi eq, %iota3A, %eq3A_51 : vector<16xi32>
      tpu.vector_store_idx %arg5[%get3A_8], %broadcast_in_dim3A_7 masked %eq3A_52 {add = true} : memref<8192xf32, #tpu.memory_space<vmem>>[vector<16xi32>], vector<16xf32>, vector<16xi1>
      %eq3A_53 = arith.constant 15 : i32
      %eq3A_54 = vector.broadcast %eq3A_53 : i32 to vector<16xi32>
      %eq3A_55 = arith.cmpi eq, %iota3A, %eq3A_54 : vector<16xi32>
      tpu.vector_store_idx %arg5[%get3A_8], %broadcast_in_dim3A_7 masked %eq3A_55 {add = true} : memref<8192xf32, #tpu.memory_space<vmem>>[vector<16xi32>], vector<16xf32>, vector<16xi1>
      %get3A_56 = arith.constant 16 : index
      %get3A_57 = tpu.vector_load %arg4[%get3A_56] {strides = array<i32>} : memref<128xi32, #tpu.memory_space<vmem>>, vector<16xi32>,
      %eq3A_58 = arith.constant 0 : i32
      %eq3A_59 = vector.broadcast %eq3A_58 : i32 to vector<16xi32>
      %eq3A_60 = arith.cmpi eq, %iota3A, %eq3A_59 : vector<16xi32>
      tpu.vector_store_idx %arg5[%get3A_57], %broadcast_in_dim3A_7 masked %eq3A_60 {add = true} : memref<8192xf32, #tpu.memory_space<vmem>>[vector<16xi32>], vector<16xf32>, vector<16xi1>
      %eq3A_61 = arith.constant 1 : i32
      %eq3A_62 = vector.broadcast %eq3A_61 : i32 to vector<16xi32>
      %eq3A_63 = arith.cmpi eq, %iota3A, %eq3A_62 : vector<16xi32>
      tpu.vector_store_idx %arg5[%get3A_57], %broadcast_in_dim3A_7 masked %eq3A_63 {add = true} : memref<8192xf32, #tpu.memory_space<vmem>>[vector<16xi32>], vector<16xf32>, vector<16xi1>
      %eq3A_64 = arith.constant 2 : i32
      %eq3A_65 = vector.broadcast %eq3A_64 : i32 to vector<16xi32>
      %eq3A_66 = arith.cmpi eq, %iota3A, %eq3A_65 : vector<16xi32>
      tpu.vector_store_idx %arg5[%get3A_57], %broadcast_in_dim3A_7 masked %eq3A_66 {add = true} : memref<8192xf32, #tpu.memory_space<vmem>>[vector<16xi32>], vector<16xf32>, vector<16xi1>
      %eq3A_67 = arith.constant 3 : i32
      %eq3A_68 = vector.broadcast %eq3A_67 : i32 to vector<16xi32>
      %eq3A_69 = arith.cmpi eq, %iota3A, %eq3A_68 : vector<16xi32>
      tpu.vector_store_idx %arg5[%get3A_57], %broadcast_in_dim3A_7 masked %eq3A_69 {add = true} : memref<8192xf32, #tpu.memory_space<vmem>>[vector<16xi32>], vector<16xf32>, vector<16xi1>
      %eq3A_70 = arith.constant 4 : i32
      %eq3A_71 = vector.broadcast %eq3A_70 : i32 to vector<16xi32>
      %eq3A_72 = arith.cmpi eq, %iota3A, %eq3A_71 : vector<16xi32>
      tpu.vector_store_idx %arg5[%get3A_57], %broadcast_in_dim3A_7 masked %eq3A_72 {add = true} : memref<8192xf32, #tpu.memory_space<vmem>>[vector<16xi32>], vector<16xf32>, vector<16xi1>
      %eq3A_73 = arith.constant 5 : i32
      %eq3A_74 = vector.broadcast %eq3A_73 : i32 to vector<16xi32>
      %eq3A_75 = arith.cmpi eq, %iota3A, %eq3A_74 : vector<16xi32>
      tpu.vector_store_idx %arg5[%get3A_57], %broadcast_in_dim3A_7 masked %eq3A_75 {add = true} : memref<8192xf32, #tpu.memory_space<vmem>>[vector<16xi32>], vector<16xf32>, vector<16xi1>
      %eq3A_76 = arith.constant 6 : i32
      %eq3A_77 = vector.broadcast %eq3A_76 : i32 to vector<16xi32>
      %eq3A_78 = arith.cmpi eq, %iota3A, %eq3A_77 : vector<16xi32>
      tpu.vector_store_idx %arg5[%get3A_57], %broadcast_in_dim3A_7 masked %eq3A_78 {add = true} : memref<8192xf32, #tpu.memory_space<vmem>>[vector<16xi32>], vector<16xf32>, vector<16xi1>
      %eq3A_79 = arith.constant 7 : i32
      %eq3A_80 = vector.broadcast %eq3A_79 : i32 to vector<16xi32>
      %eq3A_81 = arith.cmpi eq, %iota3A, %eq3A_80 : vector<16xi32>
      tpu.vector_store_idx %arg5[%get3A_57], %broadcast_in_dim3A_7 masked %eq3A_81 {add = true} : memref<8192xf32, #tpu.memory_space<vmem>>[vector<16xi32>], vector<16xf32>, vector<16xi1>
      %eq3A_82 = arith.constant 8 : i32
      %eq3A_83 = vector.broadcast %eq3A_82 : i32 to vector<16xi32>
      %eq3A_84 = arith.cmpi eq, %iota3A, %eq3A_83 : vector<16xi32>
      tpu.vector_store_idx %arg5[%get3A_57], %broadcast_in_dim3A_7 masked %eq3A_84 {add = true} : memref<8192xf32, #tpu.memory_space<vmem>>[vector<16xi32>], vector<16xf32>, vector<16xi1>
      %eq3A_85 = arith.constant 9 : i32
      %eq3A_86 = vector.broadcast %eq3A_85 : i32 to vector<16xi32>
      %eq3A_87 = arith.cmpi eq, %iota3A, %eq3A_86 : vector<16xi32>
      tpu.vector_store_idx %arg5[%get3A_57], %broadcast_in_dim3A_7 masked %eq3A_87 {add = true} : memref<8192xf32, #tpu.memory_space<vmem>>[vector<16xi32>], vector<16xf32>, vector<16xi1>
      %eq3A_88 = arith.constant 10 : i32
      %eq3A_89 = vector.broadcast %eq3A_88 : i32 to vector<16xi32>
      %eq3A_90 = arith.cmpi eq, %iota3A, %eq3A_89 : vector<16xi32>
      tpu.vector_store_idx %arg5[%get3A_57], %broadcast_in_dim3A_7 masked %eq3A_90 {add = true} : memref<8192xf32, #tpu.memory_space<vmem>>[vector<16xi32>], vector<16xf32>, vector<16xi1>
      %eq3A_91 = arith.constant 11 : i32
      %eq3A_92 = vector.broadcast %eq3A_91 : i32 to vector<16xi32>
      %eq3A_93 = arith.cmpi eq, %iota3A, %eq3A_92 : vector<16xi32>
      tpu.vector_store_idx %arg5[%get3A_57], %broadcast_in_dim3A_7 masked %eq3A_93 {add = true} : memref<8192xf32, #tpu.memory_space<vmem>>[vector<16xi32>], vector<16xf32>, vector<16xi1>
      %eq3A_94 = arith.constant 12 : i32
      %eq3A_95 = vector.broadcast %eq3A_94 : i32 to vector<16xi32>
      %eq3A_96 = arith.cmpi eq, %iota3A, %eq3A_95 : vector<16xi32>
      tpu.vector_store_idx %arg5[%get3A_57], %broadcast_in_dim3A_7 masked %eq3A_96 {add = true} : memref<8192xf32, #tpu.memory_space<vmem>>[vector<16xi32>], vector<16xf32>, vector<16xi1>
      %eq3A_97 = arith.constant 13 : i32
      %eq3A_98 = vector.broadcast %eq3A_97 : i32 to vector<16xi32>
      %eq3A_99 = arith.cmpi eq, %iota3A, %eq3A_98 : vector<16xi32>
      tpu.vector_store_idx %arg5[%get3A_57], %broadcast_in_dim3A_7 masked %eq3A_99 {add = true} : memref<8192xf32, #tpu.memory_space<vmem>>[vector<16xi32>], vector<16xf32>, vector<16xi1>
      %eq3A_100 = arith.constant 14 : i32
      %eq3A_101 = vector.broadcast %eq3A_100 : i32 to vector<16xi32>
      %eq3A_102 = arith.cmpi eq, %iota3A, %eq3A_101 : vector<16xi32>
      tpu.vector_store_idx %arg5[%get3A_57], %broadcast_in_dim3A_7 masked %eq3A_102 {add = true} : memref<8192xf32, #tpu.memory_space<vmem>>[vector<16xi32>], vector<16xf32>, vector<16xi1>
      %eq3A_103 = arith.constant 15 : i32
      %eq3A_104 = vector.broadcast %eq3A_103 : i32 to vector<16xi32>
      %eq3A_105 = arith.cmpi eq, %iota3A, %eq3A_104 : vector<16xi32>
      tpu.vector_store_idx %arg5[%get3A_57], %broadcast_in_dim3A_7 masked %eq3A_105 {add = true} : memref<8192xf32, #tpu.memory_space<vmem>>[vector<16xi32>], vector<16xf32>, vector<16xi1>
      %get3A_106 = arith.constant 32 : index
      %get3A_107 = tpu.vector_load %arg4[%get3A_106] {strides = array<i32>} : memref<128xi32, #tpu.memory_space<vmem>>, vector<16xi32>,
      %eq3A_108 = arith.constant 0 : i32
      %eq3A_109 = vector.broadcast %eq3A_108 : i32 to vector<16xi32>
      %eq3A_110 = arith.cmpi eq, %iota3A, %eq3A_109 : vector<16xi32>
      tpu.vector_store_idx %arg5[%get3A_107], %broadcast_in_dim3A_7 masked %eq3A_110 {add = true} : memref<8192xf32, #tpu.memory_space<vmem>>[vector<16xi32>], vector<16xf32>, vector<16xi1>
      %eq3A_111 = arith.constant 1 : i32
      %eq3A_112 = vector.broadcast %eq3A_111 : i32 to vector<16xi32>
      %eq3A_113 = arith.cmpi eq, %iota3A, %eq3A_112 : vector<16xi32>
      tpu.vector_store_idx %arg5[%get3A_107], %broadcast_in_dim3A_7 masked %eq3A_113 {add = true} : memref<8192xf32, #tpu.memory_space<vmem>>[vector<16xi32>], vector<16xf32>, vector<16xi1>
      %eq3A_114 = arith.constant 2 : i32
      %eq3A_115 = vector.broadcast %eq3A_114 : i32 to vector<16xi32>
      %eq3A_116 = arith.cmpi eq, %iota3A, %eq3A_115 : vector<16xi32>
      tpu.vector_store_idx %arg5[%get3A_107], %broadcast_in_dim3A_7 masked %eq3A_116 {add = true} : memref<8192xf32, #tpu.memory_space<vmem>>[vector<16xi32>], vector<16xf32>, vector<16xi1>
      %eq3A_117 = arith.constant 3 : i32
      %eq3A_118 = vector.broadcast %eq3A_117 : i32 to vector<16xi32>
      %eq3A_119 = arith.cmpi eq, %iota3A, %eq3A_118 : vector<16xi32>
      tpu.vector_store_idx %arg5[%get3A_107], %broadcast_in_dim3A_7 masked %eq3A_119 {add = true} : memref<8192xf32, #tpu.memory_space<vmem>>[vector<16xi32>], vector<16xf32>, vector<16xi1>
      %eq3A_120 = arith.constant 4 : i32
      %eq3A_121 = vector.broadcast %eq3A_120 : i32 to vector<16xi32>
      %eq3A_122 = arith.cmpi eq, %iota3A, %eq3A_121 : vector<16xi32>
      tpu.vector_store_idx %arg5[%get3A_107], %broadcast_in_dim3A_7 masked %eq3A_122 {add = true} : memref<8192xf32, #tpu.memory_space<vmem>>[vector<16xi32>], vector<16xf32>, vector<16xi1>
      %eq3A_123 = arith.constant 5 : i32
      %eq3A_124 = vector.broadcast %eq3A_123 : i32 to vector<16xi32>
      %eq3A_125 = arith.cmpi eq, %iota3A, %eq3A_124 : vector<16xi32>
      tpu.vector_store_idx %arg5[%get3A_107], %broadcast_in_dim3A_7 masked %eq3A_125 {add = true} : memref<8192xf32, #tpu.memory_space<vmem>>[vector<16xi32>], vector<16xf32>, vector<16xi1>
      %eq3A_126 = arith.constant 6 : i32
      %eq3A_127 = vector.broadcast %eq3A_126 : i32 to vector<16xi32>
      %eq3A_128 = arith.cmpi eq, %iota3A, %eq3A_127 : vector<16xi32>
      tpu.vector_store_idx %arg5[%get3A_107], %broadcast_in_dim3A_7 masked %eq3A_128 {add = true} : memref<8192xf32, #tpu.memory_space<vmem>>[vector<16xi32>], vector<16xf32>, vector<16xi1>
      %eq3A_129 = arith.constant 7 : i32
      %eq3A_130 = vector.broadcast %eq3A_129 : i32 to vector<16xi32>
      %eq3A_131 = arith.cmpi eq, %iota3A, %eq3A_130 : vector<16xi32>
      tpu.vector_store_idx %arg5[%get3A_107], %broadcast_in_dim3A_7 masked %eq3A_131 {add = true} : memref<8192xf32, #tpu.memory_space<vmem>>[vector<16xi32>], vector<16xf32>, vector<16xi1>
      %eq3A_132 = arith.constant 8 : i32
      %eq3A_133 = vector.broadcast %eq3A_132 : i32 to vector<16xi32>
      %eq3A_134 = arith.cmpi eq, %iota3A, %eq3A_133 : vector<16xi32>
      tpu.vector_store_idx %arg5[%get3A_107], %broadcast_in_dim3A_7 masked %eq3A_134 {add = true} : memref<8192xf32, #tpu.memory_space<vmem>>[vector<16xi32>], vector<16xf32>, vector<16xi1>
      %eq3A_135 = arith.constant 9 : i32
      %eq3A_136 = vector.broadcast %eq3A_135 : i32 to vector<16xi32>
      %eq3A_137 = arith.cmpi eq, %iota3A, %eq3A_136 : vector<16xi32>
      tpu.vector_store_idx %arg5[%get3A_107], %broadcast_in_dim3A_7 masked %eq3A_137 {add = true} : memref<8192xf32, #tpu.memory_space<vmem>>[vector<16xi32>], vector<16xf32>, vector<16xi1>
      %eq3A_138 = arith.constant 10 : i32
      %eq3A_139 = vector.broadcast %eq3A_138 : i32 to vector<16xi32>
      %eq3A_140 = arith.cmpi eq, %iota3A, %eq3A_139 : vector<16xi32>
      tpu.vector_store_idx %arg5[%get3A_107], %broadcast_in_dim3A_7 masked %eq3A_140 {add = true} : memref<8192xf32, #tpu.memory_space<vmem>>[vector<16xi32>], vector<16xf32>, vector<16xi1>
      %eq3A_141 = arith.constant 11 : i32
      %eq3A_142 = vector.broadcast %eq3A_141 : i32 to vector<16xi32>
      %eq3A_143 = arith.cmpi eq, %iota3A, %eq3A_142 : vector<16xi32>
      tpu.vector_store_idx %arg5[%get3A_107], %broadcast_in_dim3A_7 masked %eq3A_143 {add = true} : memref<8192xf32, #tpu.memory_space<vmem>>[vector<16xi32>], vector<16xf32>, vector<16xi1>
      %eq3A_144 = arith.constant 12 : i32
      %eq3A_145 = vector.broadcast %eq3A_144 : i32 to vector<16xi32>
      %eq3A_146 = arith.cmpi eq, %iota3A, %eq3A_145 : vector<16xi32>
      tpu.vector_store_idx %arg5[%get3A_107], %broadcast_in_dim3A_7 masked %eq3A_146 {add = true} : memref<8192xf32, #tpu.memory_space<vmem>>[vector<16xi32>], vector<16xf32>, vector<16xi1>
      %eq3A_147 = arith.constant 13 : i32
      %eq3A_148 = vector.broadcast %eq3A_147 : i32 to vector<16xi32>
      %eq3A_149 = arith.cmpi eq, %iota3A, %eq3A_148 : vector<16xi32>
      tpu.vector_store_idx %arg5[%get3A_107], %broadcast_in_dim3A_7 masked %eq3A_149 {add = true} : memref<8192xf32, #tpu.memory_space<vmem>>[vector<16xi32>], vector<16xf32>, vector<16xi1>
      %eq3A_150 = arith.constant 14 : i32
      %eq3A_151 = vector.broadcast %eq3A_150 : i32 to vector<16xi32>
      %eq3A_152 = arith.cmpi eq, %iota3A, %eq3A_151 : vector<16xi32>
      tpu.vector_store_idx %arg5[%get3A_107], %broadcast_in_dim3A_7 masked %eq3A_152 {add = true} : memref<8192xf32, #tpu.memory_space<vmem>>[vector<16xi32>], vector<16xf32>, vector<16xi1>
      %eq3A_153 = arith.constant 15 : i32
      %eq3A_154 = vector.broadcast %eq3A_153 : i32 to vector<16xi32>
      %eq3A_155 = arith.cmpi eq, %iota3A, %eq3A_154 : vector<16xi32>
      tpu.vector_store_idx %arg5[%get3A_107], %broadcast_in_dim3A_7 masked %eq3A_155 {add = true} : memref<8192xf32, #tpu.memory_space<vmem>>[vector<16xi32>], vector<16xf32>, vector<16xi1>
      %get3A_156 = arith.constant 48 : index
      %get3A_157 = tpu.vector_load %arg4[%get3A_156] {strides = array<i32>} : memref<128xi32, #tpu.memory_space<vmem>>, vector<16xi32>,
      %eq3A_158 = arith.constant 0 : i32
      %eq3A_159 = vector.broadcast %eq3A_158 : i32 to vector<16xi32>
      %eq3A_160 = arith.cmpi eq, %iota3A, %eq3A_159 : vector<16xi32>
      tpu.vector_store_idx %arg5[%get3A_157], %broadcast_in_dim3A_7 masked %eq3A_160 {add = true} : memref<8192xf32, #tpu.memory_space<vmem>>[vector<16xi32>], vector<16xf32>, vector<16xi1>
      %eq3A_161 = arith.constant 1 : i32
      %eq3A_162 = vector.broadcast %eq3A_161 : i32 to vector<16xi32>
      %eq3A_163 = arith.cmpi eq, %iota3A, %eq3A_162 : vector<16xi32>
      tpu.vector_store_idx %arg5[%get3A_157], %broadcast_in_dim3A_7 masked %eq3A_163 {add = true} : memref<8192xf32, #tpu.memory_space<vmem>>[vector<16xi32>], vector<16xf32>, vector<16xi1>
      %eq3A_164 = arith.constant 2 : i32
      %eq3A_165 = vector.broadcast %eq3A_164 : i32 to vector<16xi32>
      %eq3A_166 = arith.cmpi eq, %iota3A, %eq3A_165 : vector<16xi32>
      tpu.vector_store_idx %arg5[%get3A_157], %broadcast_in_dim3A_7 masked %eq3A_166 {add = true} : memref<8192xf32, #tpu.memory_space<vmem>>[vector<16xi32>], vector<16xf32>, vector<16xi1>
      %eq3A_167 = arith.constant 3 : i32
      %eq3A_168 = vector.broadcast %eq3A_167 : i32 to vector<16xi32>
      %eq3A_169 = arith.cmpi eq, %iota3A, %eq3A_168 : vector<16xi32>
      tpu.vector_store_idx %arg5[%get3A_157], %broadcast_in_dim3A_7 masked %eq3A_169 {add = true} : memref<8192xf32, #tpu.memory_space<vmem>>[vector<16xi32>], vector<16xf32>, vector<16xi1>
      %eq3A_170 = arith.constant 4 : i32
      %eq3A_171 = vector.broadcast %eq3A_170 : i32 to vector<16xi32>
      %eq3A_172 = arith.cmpi eq, %iota3A, %eq3A_171 : vector<16xi32>
      tpu.vector_store_idx %arg5[%get3A_157], %broadcast_in_dim3A_7 masked %eq3A_172 {add = true} : memref<8192xf32, #tpu.memory_space<vmem>>[vector<16xi32>], vector<16xf32>, vector<16xi1>
      %eq3A_173 = arith.constant 5 : i32
      %eq3A_174 = vector.broadcast %eq3A_173 : i32 to vector<16xi32>
      %eq3A_175 = arith.cmpi eq, %iota3A, %eq3A_174 : vector<16xi32>
      tpu.vector_store_idx %arg5[%get3A_157], %broadcast_in_dim3A_7 masked %eq3A_175 {add = true} : memref<8192xf32, #tpu.memory_space<vmem>>[vector<16xi32>], vector<16xf32>, vector<16xi1>
      %eq3A_176 = arith.constant 6 : i32
      %eq3A_177 = vector.broadcast %eq3A_176 : i32 to vector<16xi32>
      %eq3A_178 = arith.cmpi eq, %iota3A, %eq3A_177 : vector<16xi32>
      tpu.vector_store_idx %arg5[%get3A_157], %broadcast_in_dim3A_7 masked %eq3A_178 {add = true} : memref<8192xf32, #tpu.memory_space<vmem>>[vector<16xi32>], vector<16xf32>, vector<16xi1>
      %eq3A_179 = arith.constant 7 : i32
      %eq3A_180 = vector.broadcast %eq3A_179 : i32 to vector<16xi32>
      %eq3A_181 = arith.cmpi eq, %iota3A, %eq3A_180 : vector<16xi32>
      tpu.vector_store_idx %arg5[%get3A_157], %broadcast_in_dim3A_7 masked %eq3A_181 {add = true} : memref<8192xf32, #tpu.memory_space<vmem>>[vector<16xi32>], vector<16xf32>, vector<16xi1>
      %eq3A_182 = arith.constant 8 : i32
      %eq3A_183 = vector.broadcast %eq3A_182 : i32 to vector<16xi32>
      %eq3A_184 = arith.cmpi eq, %iota3A, %eq3A_183 : vector<16xi32>
      tpu.vector_store_idx %arg5[%get3A_157], %broadcast_in_dim3A_7 masked %eq3A_184 {add = true} : memref<8192xf32, #tpu.memory_space<vmem>>[vector<16xi32>], vector<16xf32>, vector<16xi1>
      %eq3A_185 = arith.constant 9 : i32
      %eq3A_186 = vector.broadcast %eq3A_185 : i32 to vector<16xi32>
      %eq3A_187 = arith.cmpi eq, %iota3A, %eq3A_186 : vector<16xi32>
      tpu.vector_store_idx %arg5[%get3A_157], %broadcast_in_dim3A_7 masked %eq3A_187 {add = true} : memref<8192xf32, #tpu.memory_space<vmem>>[vector<16xi32>], vector<16xf32>, vector<16xi1>
      %eq3A_188 = arith.constant 10 : i32
      %eq3A_189 = vector.broadcast %eq3A_188 : i32 to vector<16xi32>
      %eq3A_190 = arith.cmpi eq, %iota3A, %eq3A_189 : vector<16xi32>
      tpu.vector_store_idx %arg5[%get3A_157], %broadcast_in_dim3A_7 masked %eq3A_190 {add = true} : memref<8192xf32, #tpu.memory_space<vmem>>[vector<16xi32>], vector<16xf32>, vector<16xi1>
      %eq3A_191 = arith.constant 11 : i32
      %eq3A_192 = vector.broadcast %eq3A_191 : i32 to vector<16xi32>
      %eq3A_193 = arith.cmpi eq, %iota3A, %eq3A_192 : vector<16xi32>
      tpu.vector_store_idx %arg5[%get3A_157], %broadcast_in_dim3A_7 masked %eq3A_193 {add = true} : memref<8192xf32, #tpu.memory_space<vmem>>[vector<16xi32>], vector<16xf32>, vector<16xi1>
      %eq3A_194 = arith.constant 12 : i32
      %eq3A_195 = vector.broadcast %eq3A_194 : i32 to vector<16xi32>
      %eq3A_196 = arith.cmpi eq, %iota3A, %eq3A_195 : vector<16xi32>
      tpu.vector_store_idx %arg5[%get3A_157], %broadcast_in_dim3A_7 masked %eq3A_196 {add = true} : memref<8192xf32, #tpu.memory_space<vmem>>[vector<16xi32>], vector<16xf32>, vector<16xi1>
      %eq3A_197 = arith.constant 13 : i32
      %eq3A_198 = vector.broadcast %eq3A_197 : i32 to vector<16xi32>
      %eq3A_199 = arith.cmpi eq, %iota3A, %eq3A_198 : vector<16xi32>
      tpu.vector_store_idx %arg5[%get3A_157], %broadcast_in_dim3A_7 masked %eq3A_199 {add = true} : memref<8192xf32, #tpu.memory_space<vmem>>[vector<16xi32>], vector<16xf32>, vector<16xi1>
      %eq3A_200 = arith.constant 14 : i32
      %eq3A_201 = vector.broadcast %eq3A_200 : i32 to vector<16xi32>
      %eq3A_202 = arith.cmpi eq, %iota3A, %eq3A_201 : vector<16xi32>
      tpu.vector_store_idx %arg5[%get3A_157], %broadcast_in_dim3A_7 masked %eq3A_202 {add = true} : memref<8192xf32, #tpu.memory_space<vmem>>[vector<16xi32>], vector<16xf32>, vector<16xi1>
      %eq3A_203 = arith.constant 15 : i32
      %eq3A_204 = vector.broadcast %eq3A_203 : i32 to vector<16xi32>
      %eq3A_205 = arith.cmpi eq, %iota3A, %eq3A_204 : vector<16xi32>
      tpu.vector_store_idx %arg5[%get3A_157], %broadcast_in_dim3A_7 masked %eq3A_205 {add = true} : memref<8192xf32, #tpu.memory_space<vmem>>[vector<16xi32>], vector<16xf32>, vector<16xi1>
      %get3A_206 = arith.constant 64 : index
      %get3A_207 = tpu.vector_load %arg4[%get3A_206] {strides = array<i32>} : memref<128xi32, #tpu.memory_space<vmem>>, vector<16xi32>,
      %eq3A_208 = arith.constant 0 : i32
      %eq3A_209 = vector.broadcast %eq3A_208 : i32 to vector<16xi32>
      %eq3A_210 = arith.cmpi eq, %iota3A, %eq3A_209 : vector<16xi32>
      tpu.vector_store_idx %arg5[%get3A_207], %broadcast_in_dim3A_7 masked %eq3A_210 {add = true} : memref<8192xf32, #tpu.memory_space<vmem>>[vector<16xi32>], vector<16xf32>, vector<16xi1>
      %eq3A_211 = arith.constant 1 : i32
      %eq3A_212 = vector.broadcast %eq3A_211 : i32 to vector<16xi32>
      %eq3A_213 = arith.cmpi eq, %iota3A, %eq3A_212 : vector<16xi32>
      tpu.vector_store_idx %arg5[%get3A_207], %broadcast_in_dim3A_7 masked %eq3A_213 {add = true} : memref<8192xf32, #tpu.memory_space<vmem>>[vector<16xi32>], vector<16xf32>, vector<16xi1>
      %eq3A_214 = arith.constant 2 : i32
      %eq3A_215 = vector.broadcast %eq3A_214 : i32 to vector<16xi32>
      %eq3A_216 = arith.cmpi eq, %iota3A, %eq3A_215 : vector<16xi32>
      tpu.vector_store_idx %arg5[%get3A_207], %broadcast_in_dim3A_7 masked %eq3A_216 {add = true} : memref<8192xf32, #tpu.memory_space<vmem>>[vector<16xi32>], vector<16xf32>, vector<16xi1>
      %eq3A_217 = arith.constant 3 : i32
      %eq3A_218 = vector.broadcast %eq3A_217 : i32 to vector<16xi32>
      %eq3A_219 = arith.cmpi eq, %iota3A, %eq3A_218 : vector<16xi32>
      tpu.vector_store_idx %arg5[%get3A_207], %broadcast_in_dim3A_7 masked %eq3A_219 {add = true} : memref<8192xf32, #tpu.memory_space<vmem>>[vector<16xi32>], vector<16xf32>, vector<16xi1>
      %eq3A_220 = arith.constant 4 : i32
      %eq3A_221 = vector.broadcast %eq3A_220 : i32 to vector<16xi32>
      %eq3A_222 = arith.cmpi eq, %iota3A, %eq3A_221 : vector<16xi32>
      tpu.vector_store_idx %arg5[%get3A_207], %broadcast_in_dim3A_7 masked %eq3A_222 {add = true} : memref<8192xf32, #tpu.memory_space<vmem>>[vector<16xi32>], vector<16xf32>, vector<16xi1>
      %eq3A_223 = arith.constant 5 : i32
      %eq3A_224 = vector.broadcast %eq3A_223 : i32 to vector<16xi32>
      %eq3A_225 = arith.cmpi eq, %iota3A, %eq3A_224 : vector<16xi32>
      tpu.vector_store_idx %arg5[%get3A_207], %broadcast_in_dim3A_7 masked %eq3A_225 {add = true} : memref<8192xf32, #tpu.memory_space<vmem>>[vector<16xi32>], vector<16xf32>, vector<16xi1>
      %eq3A_226 = arith.constant 6 : i32
      %eq3A_227 = vector.broadcast %eq3A_226 : i32 to vector<16xi32>
      %eq3A_228 = arith.cmpi eq, %iota3A, %eq3A_227 : vector<16xi32>
      tpu.vector_store_idx %arg5[%get3A_207], %broadcast_in_dim3A_7 masked %eq3A_228 {add = true} : memref<8192xf32, #tpu.memory_space<vmem>>[vector<16xi32>], vector<16xf32>, vector<16xi1>
      %eq3A_229 = arith.constant 7 : i32
      %eq3A_230 = vector.broadcast %eq3A_229 : i32 to vector<16xi32>
      %eq3A_231 = arith.cmpi eq, %iota3A, %eq3A_230 : vector<16xi32>
      tpu.vector_store_idx %arg5[%get3A_207], %broadcast_in_dim3A_7 masked %eq3A_231 {add = true} : memref<8192xf32, #tpu.memory_space<vmem>>[vector<16xi32>], vector<16xf32>, vector<16xi1>
      %eq3A_232 = arith.constant 8 : i32
      %eq3A_233 = vector.broadcast %eq3A_232 : i32 to vector<16xi32>
      %eq3A_234 = arith.cmpi eq, %iota3A, %eq3A_233 : vector<16xi32>
      tpu.vector_store_idx %arg5[%get3A_207], %broadcast_in_dim3A_7 masked %eq3A_234 {add = true} : memref<8192xf32, #tpu.memory_space<vmem>>[vector<16xi32>], vector<16xf32>, vector<16xi1>
      %eq3A_235 = arith.constant 9 : i32
      %eq3A_236 = vector.broadcast %eq3A_235 : i32 to vector<16xi32>
      %eq3A_237 = arith.cmpi eq, %iota3A, %eq3A_236 : vector<16xi32>
      tpu.vector_store_idx %arg5[%get3A_207], %broadcast_in_dim3A_7 masked %eq3A_237 {add = true} : memref<8192xf32, #tpu.memory_space<vmem>>[vector<16xi32>], vector<16xf32>, vector<16xi1>
      %eq3A_238 = arith.constant 10 : i32
      %eq3A_239 = vector.broadcast %eq3A_238 : i32 to vector<16xi32>
      %eq3A_240 = arith.cmpi eq, %iota3A, %eq3A_239 : vector<16xi32>
      tpu.vector_store_idx %arg5[%get3A_207], %broadcast_in_dim3A_7 masked %eq3A_240 {add = true} : memref<8192xf32, #tpu.memory_space<vmem>>[vector<16xi32>], vector<16xf32>, vector<16xi1>
      %eq3A_241 = arith.constant 11 : i32
      %eq3A_242 = vector.broadcast %eq3A_241 : i32 to vector<16xi32>
      %eq3A_243 = arith.cmpi eq, %iota3A, %eq3A_242 : vector<16xi32>
      tpu.vector_store_idx %arg5[%get3A_207], %broadcast_in_dim3A_7 masked %eq3A_243 {add = true} : memref<8192xf32, #tpu.memory_space<vmem>>[vector<16xi32>], vector<16xf32>, vector<16xi1>
      %eq3A_244 = arith.constant 12 : i32
      %eq3A_245 = vector.broadcast %eq3A_244 : i32 to vector<16xi32>
      %eq3A_246 = arith.cmpi eq, %iota3A, %eq3A_245 : vector<16xi32>
      tpu.vector_store_idx %arg5[%get3A_207], %broadcast_in_dim3A_7 masked %eq3A_246 {add = true} : memref<8192xf32, #tpu.memory_space<vmem>>[vector<16xi32>], vector<16xf32>, vector<16xi1>
      %eq3A_247 = arith.constant 13 : i32
      %eq3A_248 = vector.broadcast %eq3A_247 : i32 to vector<16xi32>
      %eq3A_249 = arith.cmpi eq, %iota3A, %eq3A_248 : vector<16xi32>
      tpu.vector_store_idx %arg5[%get3A_207], %broadcast_in_dim3A_7 masked %eq3A_249 {add = true} : memref<8192xf32, #tpu.memory_space<vmem>>[vector<16xi32>], vector<16xf32>, vector<16xi1>
      %eq3A_250 = arith.constant 14 : i32
      %eq3A_251 = vector.broadcast %eq3A_250 : i32 to vector<16xi32>
      %eq3A_252 = arith.cmpi eq, %iota3A, %eq3A_251 : vector<16xi32>
      tpu.vector_store_idx %arg5[%get3A_207], %broadcast_in_dim3A_7 masked %eq3A_252 {add = true} : memref<8192xf32, #tpu.memory_space<vmem>>[vector<16xi32>], vector<16xf32>, vector<16xi1>
      %eq3A_253 = arith.constant 15 : i32
      %eq3A_254 = vector.broadcast %eq3A_253 : i32 to vector<16xi32>
      %eq3A_255 = arith.cmpi eq, %iota3A, %eq3A_254 : vector<16xi32>
      tpu.vector_store_idx %arg5[%get3A_207], %broadcast_in_dim3A_7 masked %eq3A_255 {add = true} : memref<8192xf32, #tpu.memory_space<vmem>>[vector<16xi32>], vector<16xf32>, vector<16xi1>
      %get3A_256 = arith.constant 80 : index
      %get3A_257 = tpu.vector_load %arg4[%get3A_256] {strides = array<i32>} : memref<128xi32, #tpu.memory_space<vmem>>, vector<16xi32>,
      %eq3A_258 = arith.constant 0 : i32
      %eq3A_259 = vector.broadcast %eq3A_258 : i32 to vector<16xi32>
      %eq3A_260 = arith.cmpi eq, %iota3A, %eq3A_259 : vector<16xi32>
      tpu.vector_store_idx %arg5[%get3A_257], %broadcast_in_dim3A_7 masked %eq3A_260 {add = true} : memref<8192xf32, #tpu.memory_space<vmem>>[vector<16xi32>], vector<16xf32>, vector<16xi1>
      %eq3A_261 = arith.constant 1 : i32
      %eq3A_262 = vector.broadcast %eq3A_261 : i32 to vector<16xi32>
      %eq3A_263 = arith.cmpi eq, %iota3A, %eq3A_262 : vector<16xi32>
      tpu.vector_store_idx %arg5[%get3A_257], %broadcast_in_dim3A_7 masked %eq3A_263 {add = true} : memref<8192xf32, #tpu.memory_space<vmem>>[vector<16xi32>], vector<16xf32>, vector<16xi1>
      %eq3A_264 = arith.constant 2 : i32
      %eq3A_265 = vector.broadcast %eq3A_264 : i32 to vector<16xi32>
      %eq3A_266 = arith.cmpi eq, %iota3A, %eq3A_265 : vector<16xi32>
      tpu.vector_store_idx %arg5[%get3A_257], %broadcast_in_dim3A_7 masked %eq3A_266 {add = true} : memref<8192xf32, #tpu.memory_space<vmem>>[vector<16xi32>], vector<16xf32>, vector<16xi1>
      %eq3A_267 = arith.constant 3 : i32
      %eq3A_268 = vector.broadcast %eq3A_267 : i32 to vector<16xi32>
      %eq3A_269 = arith.cmpi eq, %iota3A, %eq3A_268 : vector<16xi32>
      tpu.vector_store_idx %arg5[%get3A_257], %broadcast_in_dim3A_7 masked %eq3A_269 {add = true} : memref<8192xf32, #tpu.memory_space<vmem>>[vector<16xi32>], vector<16xf32>, vector<16xi1>
      %eq3A_270 = arith.constant 4 : i32
      %eq3A_271 = vector.broadcast %eq3A_270 : i32 to vector<16xi32>
      %eq3A_272 = arith.cmpi eq, %iota3A, %eq3A_271 : vector<16xi32>
      tpu.vector_store_idx %arg5[%get3A_257], %broadcast_in_dim3A_7 masked %eq3A_272 {add = true} : memref<8192xf32, #tpu.memory_space<vmem>>[vector<16xi32>], vector<16xf32>, vector<16xi1>
      %eq3A_273 = arith.constant 5 : i32
      %eq3A_274 = vector.broadcast %eq3A_273 : i32 to vector<16xi32>
      %eq3A_275 = arith.cmpi eq, %iota3A, %eq3A_274 : vector<16xi32>
      tpu.vector_store_idx %arg5[%get3A_257], %broadcast_in_dim3A_7 masked %eq3A_275 {add = true} : memref<8192xf32, #tpu.memory_space<vmem>>[vector<16xi32>], vector<16xf32>, vector<16xi1>
      %eq3A_276 = arith.constant 6 : i32
      %eq3A_277 = vector.broadcast %eq3A_276 : i32 to vector<16xi32>
      %eq3A_278 = arith.cmpi eq, %iota3A, %eq3A_277 : vector<16xi32>
      tpu.vector_store_idx %arg5[%get3A_257], %broadcast_in_dim3A_7 masked %eq3A_278 {add = true} : memref<8192xf32, #tpu.memory_space<vmem>>[vector<16xi32>], vector<16xf32>, vector<16xi1>
      %eq3A_279 = arith.constant 7 : i32
      %eq3A_280 = vector.broadcast %eq3A_279 : i32 to vector<16xi32>
      %eq3A_281 = arith.cmpi eq, %iota3A, %eq3A_280 : vector<16xi32>
      tpu.vector_store_idx %arg5[%get3A_257], %broadcast_in_dim3A_7 masked %eq3A_281 {add = true} : memref<8192xf32, #tpu.memory_space<vmem>>[vector<16xi32>], vector<16xf32>, vector<16xi1>
      %eq3A_282 = arith.constant 8 : i32
      %eq3A_283 = vector.broadcast %eq3A_282 : i32 to vector<16xi32>
      %eq3A_284 = arith.cmpi eq, %iota3A, %eq3A_283 : vector<16xi32>
      tpu.vector_store_idx %arg5[%get3A_257], %broadcast_in_dim3A_7 masked %eq3A_284 {add = true} : memref<8192xf32, #tpu.memory_space<vmem>>[vector<16xi32>], vector<16xf32>, vector<16xi1>
      %eq3A_285 = arith.constant 9 : i32
      %eq3A_286 = vector.broadcast %eq3A_285 : i32 to vector<16xi32>
      %eq3A_287 = arith.cmpi eq, %iota3A, %eq3A_286 : vector<16xi32>
      tpu.vector_store_idx %arg5[%get3A_257], %broadcast_in_dim3A_7 masked %eq3A_287 {add = true} : memref<8192xf32, #tpu.memory_space<vmem>>[vector<16xi32>], vector<16xf32>, vector<16xi1>
      %eq3A_288 = arith.constant 10 : i32
      %eq3A_289 = vector.broadcast %eq3A_288 : i32 to vector<16xi32>
      %eq3A_290 = arith.cmpi eq, %iota3A, %eq3A_289 : vector<16xi32>
      tpu.vector_store_idx %arg5[%get3A_257], %broadcast_in_dim3A_7 masked %eq3A_290 {add = true} : memref<8192xf32, #tpu.memory_space<vmem>>[vector<16xi32>], vector<16xf32>, vector<16xi1>
      %eq3A_291 = arith.constant 11 : i32
      %eq3A_292 = vector.broadcast %eq3A_291 : i32 to vector<16xi32>
      %eq3A_293 = arith.cmpi eq, %iota3A, %eq3A_292 : vector<16xi32>
      tpu.vector_store_idx %arg5[%get3A_257], %broadcast_in_dim3A_7 masked %eq3A_293 {add = true} : memref<8192xf32, #tpu.memory_space<vmem>>[vector<16xi32>], vector<16xf32>, vector<16xi1>
      %eq3A_294 = arith.constant 12 : i32
      %eq3A_295 = vector.broadcast %eq3A_294 : i32 to vector<16xi32>
      %eq3A_296 = arith.cmpi eq, %iota3A, %eq3A_295 : vector<16xi32>
      tpu.vector_store_idx %arg5[%get3A_257], %broadcast_in_dim3A_7 masked %eq3A_296 {add = true} : memref<8192xf32, #tpu.memory_space<vmem>>[vector<16xi32>], vector<16xf32>, vector<16xi1>
      %eq3A_297 = arith.constant 13 : i32
      %eq3A_298 = vector.broadcast %eq3A_297 : i32 to vector<16xi32>
      %eq3A_299 = arith.cmpi eq, %iota3A, %eq3A_298 : vector<16xi32>
      tpu.vector_store_idx %arg5[%get3A_257], %broadcast_in_dim3A_7 masked %eq3A_299 {add = true} : memref<8192xf32, #tpu.memory_space<vmem>>[vector<16xi32>], vector<16xf32>, vector<16xi1>
      %eq3A_300 = arith.constant 14 : i32
      %eq3A_301 = vector.broadcast %eq3A_300 : i32 to vector<16xi32>
      %eq3A_302 = arith.cmpi eq, %iota3A, %eq3A_301 : vector<16xi32>
      tpu.vector_store_idx %arg5[%get3A_257], %broadcast_in_dim3A_7 masked %eq3A_302 {add = true} : memref<8192xf32, #tpu.memory_space<vmem>>[vector<16xi32>], vector<16xf32>, vector<16xi1>
      %eq3A_303 = arith.constant 15 : i32
      %eq3A_304 = vector.broadcast %eq3A_303 : i32 to vector<16xi32>
      %eq3A_305 = arith.cmpi eq, %iota3A, %eq3A_304 : vector<16xi32>
      tpu.vector_store_idx %arg5[%get3A_257], %broadcast_in_dim3A_7 masked %eq3A_305 {add = true} : memref<8192xf32, #tpu.memory_space<vmem>>[vector<16xi32>], vector<16xf32>, vector<16xi1>
      %get3A_306 = arith.constant 96 : index
      %get3A_307 = tpu.vector_load %arg4[%get3A_306] {strides = array<i32>} : memref<128xi32, #tpu.memory_space<vmem>>, vector<16xi32>,
      %eq3A_308 = arith.constant 0 : i32
      %eq3A_309 = vector.broadcast %eq3A_308 : i32 to vector<16xi32>
      %eq3A_310 = arith.cmpi eq, %iota3A, %eq3A_309 : vector<16xi32>
      tpu.vector_store_idx %arg5[%get3A_307], %broadcast_in_dim3A_7 masked %eq3A_310 {add = true} : memref<8192xf32, #tpu.memory_space<vmem>>[vector<16xi32>], vector<16xf32>, vector<16xi1>
      %eq3A_311 = arith.constant 1 : i32
      %eq3A_312 = vector.broadcast %eq3A_311 : i32 to vector<16xi32>
      %eq3A_313 = arith.cmpi eq, %iota3A, %eq3A_312 : vector<16xi32>
      tpu.vector_store_idx %arg5[%get3A_307], %broadcast_in_dim3A_7 masked %eq3A_313 {add = true} : memref<8192xf32, #tpu.memory_space<vmem>>[vector<16xi32>], vector<16xf32>, vector<16xi1>
      %eq3A_314 = arith.constant 2 : i32
      %eq3A_315 = vector.broadcast %eq3A_314 : i32 to vector<16xi32>
      %eq3A_316 = arith.cmpi eq, %iota3A, %eq3A_315 : vector<16xi32>
      tpu.vector_store_idx %arg5[%get3A_307], %broadcast_in_dim3A_7 masked %eq3A_316 {add = true} : memref<8192xf32, #tpu.memory_space<vmem>>[vector<16xi32>], vector<16xf32>, vector<16xi1>
      %eq3A_317 = arith.constant 3 : i32
      %eq3A_318 = vector.broadcast %eq3A_317 : i32 to vector<16xi32>
      %eq3A_319 = arith.cmpi eq, %iota3A, %eq3A_318 : vector<16xi32>
      tpu.vector_store_idx %arg5[%get3A_307], %broadcast_in_dim3A_7 masked %eq3A_319 {add = true} : memref<8192xf32, #tpu.memory_space<vmem>>[vector<16xi32>], vector<16xf32>, vector<16xi1>
      %eq3A_320 = arith.constant 4 : i32
      %eq3A_321 = vector.broadcast %eq3A_320 : i32 to vector<16xi32>
      %eq3A_322 = arith.cmpi eq, %iota3A, %eq3A_321 : vector<16xi32>
      tpu.vector_store_idx %arg5[%get3A_307], %broadcast_in_dim3A_7 masked %eq3A_322 {add = true} : memref<8192xf32, #tpu.memory_space<vmem>>[vector<16xi32>], vector<16xf32>, vector<16xi1>
      %eq3A_323 = arith.constant 5 : i32
      %eq3A_324 = vector.broadcast %eq3A_323 : i32 to vector<16xi32>
      %eq3A_325 = arith.cmpi eq, %iota3A, %eq3A_324 : vector<16xi32>
      tpu.vector_store_idx %arg5[%get3A_307], %broadcast_in_dim3A_7 masked %eq3A_325 {add = true} : memref<8192xf32, #tpu.memory_space<vmem>>[vector<16xi32>], vector<16xf32>, vector<16xi1>
      %eq3A_326 = arith.constant 6 : i32
      %eq3A_327 = vector.broadcast %eq3A_326 : i32 to vector<16xi32>
      %eq3A_328 = arith.cmpi eq, %iota3A, %eq3A_327 : vector<16xi32>
      tpu.vector_store_idx %arg5[%get3A_307], %broadcast_in_dim3A_7 masked %eq3A_328 {add = true} : memref<8192xf32, #tpu.memory_space<vmem>>[vector<16xi32>], vector<16xf32>, vector<16xi1>
      %eq3A_329 = arith.constant 7 : i32
      %eq3A_330 = vector.broadcast %eq3A_329 : i32 to vector<16xi32>
      %eq3A_331 = arith.cmpi eq, %iota3A, %eq3A_330 : vector<16xi32>
      tpu.vector_store_idx %arg5[%get3A_307], %broadcast_in_dim3A_7 masked %eq3A_331 {add = true} : memref<8192xf32, #tpu.memory_space<vmem>>[vector<16xi32>], vector<16xf32>, vector<16xi1>
      %eq3A_332 = arith.constant 8 : i32
      %eq3A_333 = vector.broadcast %eq3A_332 : i32 to vector<16xi32>
      %eq3A_334 = arith.cmpi eq, %iota3A, %eq3A_333 : vector<16xi32>
      tpu.vector_store_idx %arg5[%get3A_307], %broadcast_in_dim3A_7 masked %eq3A_334 {add = true} : memref<8192xf32, #tpu.memory_space<vmem>>[vector<16xi32>], vector<16xf32>, vector<16xi1>
      %eq3A_335 = arith.constant 9 : i32
      %eq3A_336 = vector.broadcast %eq3A_335 : i32 to vector<16xi32>
      %eq3A_337 = arith.cmpi eq, %iota3A, %eq3A_336 : vector<16xi32>
      tpu.vector_store_idx %arg5[%get3A_307], %broadcast_in_dim3A_7 masked %eq3A_337 {add = true} : memref<8192xf32, #tpu.memory_space<vmem>>[vector<16xi32>], vector<16xf32>, vector<16xi1>
      %eq3A_338 = arith.constant 10 : i32
      %eq3A_339 = vector.broadcast %eq3A_338 : i32 to vector<16xi32>
      %eq3A_340 = arith.cmpi eq, %iota3A, %eq3A_339 : vector<16xi32>
      tpu.vector_store_idx %arg5[%get3A_307], %broadcast_in_dim3A_7 masked %eq3A_340 {add = true} : memref<8192xf32, #tpu.memory_space<vmem>>[vector<16xi32>], vector<16xf32>, vector<16xi1>
      %eq3A_341 = arith.constant 11 : i32
      %eq3A_342 = vector.broadcast %eq3A_341 : i32 to vector<16xi32>
      %eq3A_343 = arith.cmpi eq, %iota3A, %eq3A_342 : vector<16xi32>
      tpu.vector_store_idx %arg5[%get3A_307], %broadcast_in_dim3A_7 masked %eq3A_343 {add = true} : memref<8192xf32, #tpu.memory_space<vmem>>[vector<16xi32>], vector<16xf32>, vector<16xi1>
      %eq3A_344 = arith.constant 12 : i32
      %eq3A_345 = vector.broadcast %eq3A_344 : i32 to vector<16xi32>
      %eq3A_346 = arith.cmpi eq, %iota3A, %eq3A_345 : vector<16xi32>
      tpu.vector_store_idx %arg5[%get3A_307], %broadcast_in_dim3A_7 masked %eq3A_346 {add = true} : memref<8192xf32, #tpu.memory_space<vmem>>[vector<16xi32>], vector<16xf32>, vector<16xi1>
      %eq3A_347 = arith.constant 13 : i32
      %eq3A_348 = vector.broadcast %eq3A_347 : i32 to vector<16xi32>
      %eq3A_349 = arith.cmpi eq, %iota3A, %eq3A_348 : vector<16xi32>
      tpu.vector_store_idx %arg5[%get3A_307], %broadcast_in_dim3A_7 masked %eq3A_349 {add = true} : memref<8192xf32, #tpu.memory_space<vmem>>[vector<16xi32>], vector<16xf32>, vector<16xi1>
      %eq3A_350 = arith.constant 14 : i32
      %eq3A_351 = vector.broadcast %eq3A_350 : i32 to vector<16xi32>
      %eq3A_352 = arith.cmpi eq, %iota3A, %eq3A_351 : vector<16xi32>
      tpu.vector_store_idx %arg5[%get3A_307], %broadcast_in_dim3A_7 masked %eq3A_352 {add = true} : memref<8192xf32, #tpu.memory_space<vmem>>[vector<16xi32>], vector<16xf32>, vector<16xi1>
      %eq3A_353 = arith.constant 15 : i32
      %eq3A_354 = vector.broadcast %eq3A_353 : i32 to vector<16xi32>
      %eq3A_355 = arith.cmpi eq, %iota3A, %eq3A_354 : vector<16xi32>
      tpu.vector_store_idx %arg5[%get3A_307], %broadcast_in_dim3A_7 masked %eq3A_355 {add = true} : memref<8192xf32, #tpu.memory_space<vmem>>[vector<16xi32>], vector<16xf32>, vector<16xi1>
      %get3A_356 = arith.constant 112 : index
      %get3A_357 = tpu.vector_load %arg4[%get3A_356] {strides = array<i32>} : memref<128xi32, #tpu.memory_space<vmem>>, vector<16xi32>,
      %eq3A_358 = arith.constant 0 : i32
      %eq3A_359 = vector.broadcast %eq3A_358 : i32 to vector<16xi32>
      %eq3A_360 = arith.cmpi eq, %iota3A, %eq3A_359 : vector<16xi32>
      tpu.vector_store_idx %arg5[%get3A_357], %broadcast_in_dim3A_7 masked %eq3A_360 {add = true} : memref<8192xf32, #tpu.memory_space<vmem>>[vector<16xi32>], vector<16xf32>, vector<16xi1>
      %eq3A_361 = arith.constant 1 : i32
      %eq3A_362 = vector.broadcast %eq3A_361 : i32 to vector<16xi32>
      %eq3A_363 = arith.cmpi eq, %iota3A, %eq3A_362 : vector<16xi32>
      tpu.vector_store_idx %arg5[%get3A_357], %broadcast_in_dim3A_7 masked %eq3A_363 {add = true} : memref<8192xf32, #tpu.memory_space<vmem>>[vector<16xi32>], vector<16xf32>, vector<16xi1>
      %eq3A_364 = arith.constant 2 : i32
      %eq3A_365 = vector.broadcast %eq3A_364 : i32 to vector<16xi32>
      %eq3A_366 = arith.cmpi eq, %iota3A, %eq3A_365 : vector<16xi32>
      tpu.vector_store_idx %arg5[%get3A_357], %broadcast_in_dim3A_7 masked %eq3A_366 {add = true} : memref<8192xf32, #tpu.memory_space<vmem>>[vector<16xi32>], vector<16xf32>, vector<16xi1>
      %eq3A_367 = arith.constant 3 : i32
      %eq3A_368 = vector.broadcast %eq3A_367 : i32 to vector<16xi32>
      %eq3A_369 = arith.cmpi eq, %iota3A, %eq3A_368 : vector<16xi32>
      tpu.vector_store_idx %arg5[%get3A_357], %broadcast_in_dim3A_7 masked %eq3A_369 {add = true} : memref<8192xf32, #tpu.memory_space<vmem>>[vector<16xi32>], vector<16xf32>, vector<16xi1>
      %eq3A_370 = arith.constant 4 : i32
      %eq3A_371 = vector.broadcast %eq3A_370 : i32 to vector<16xi32>
      %eq3A_372 = arith.cmpi eq, %iota3A, %eq3A_371 : vector<16xi32>
      tpu.vector_store_idx %arg5[%get3A_357], %broadcast_in_dim3A_7 masked %eq3A_372 {add = true} : memref<8192xf32, #tpu.memory_space<vmem>>[vector<16xi32>], vector<16xf32>, vector<16xi1>
      %eq3A_373 = arith.constant 5 : i32
      %eq3A_374 = vector.broadcast %eq3A_373 : i32 to vector<16xi32>
      %eq3A_375 = arith.cmpi eq, %iota3A, %eq3A_374 : vector<16xi32>
      tpu.vector_store_idx %arg5[%get3A_357], %broadcast_in_dim3A_7 masked %eq3A_375 {add = true} : memref<8192xf32, #tpu.memory_space<vmem>>[vector<16xi32>], vector<16xf32>, vector<16xi1>
      %eq3A_376 = arith.constant 6 : i32
      %eq3A_377 = vector.broadcast %eq3A_376 : i32 to vector<16xi32>
      %eq3A_378 = arith.cmpi eq, %iota3A, %eq3A_377 : vector<16xi32>
      tpu.vector_store_idx %arg5[%get3A_357], %broadcast_in_dim3A_7 masked %eq3A_378 {add = true} : memref<8192xf32, #tpu.memory_space<vmem>>[vector<16xi32>], vector<16xf32>, vector<16xi1>
      %eq3A_379 = arith.constant 7 : i32
      %eq3A_380 = vector.broadcast %eq3A_379 : i32 to vector<16xi32>
      %eq3A_381 = arith.cmpi eq, %iota3A, %eq3A_380 : vector<16xi32>
      tpu.vector_store_idx %arg5[%get3A_357], %broadcast_in_dim3A_7 masked %eq3A_381 {add = true} : memref<8192xf32, #tpu.memory_space<vmem>>[vector<16xi32>], vector<16xf32>, vector<16xi1>
      %eq3A_382 = arith.constant 8 : i32
      %eq3A_383 = vector.broadcast %eq3A_382 : i32 to vector<16xi32>
      %eq3A_384 = arith.cmpi eq, %iota3A, %eq3A_383 : vector<16xi32>
      tpu.vector_store_idx %arg5[%get3A_357], %broadcast_in_dim3A_7 masked %eq3A_384 {add = true} : memref<8192xf32, #tpu.memory_space<vmem>>[vector<16xi32>], vector<16xf32>, vector<16xi1>
      %eq3A_385 = arith.constant 9 : i32
      %eq3A_386 = vector.broadcast %eq3A_385 : i32 to vector<16xi32>
      %eq3A_387 = arith.cmpi eq, %iota3A, %eq3A_386 : vector<16xi32>
      tpu.vector_store_idx %arg5[%get3A_357], %broadcast_in_dim3A_7 masked %eq3A_387 {add = true} : memref<8192xf32, #tpu.memory_space<vmem>>[vector<16xi32>], vector<16xf32>, vector<16xi1>
      %eq3A_388 = arith.constant 10 : i32
      %eq3A_389 = vector.broadcast %eq3A_388 : i32 to vector<16xi32>
      %eq3A_390 = arith.cmpi eq, %iota3A, %eq3A_389 : vector<16xi32>
      tpu.vector_store_idx %arg5[%get3A_357], %broadcast_in_dim3A_7 masked %eq3A_390 {add = true} : memref<8192xf32, #tpu.memory_space<vmem>>[vector<16xi32>], vector<16xf32>, vector<16xi1>
      %eq3A_391 = arith.constant 11 : i32
      %eq3A_392 = vector.broadcast %eq3A_391 : i32 to vector<16xi32>
      %eq3A_393 = arith.cmpi eq, %iota3A, %eq3A_392 : vector<16xi32>
      tpu.vector_store_idx %arg5[%get3A_357], %broadcast_in_dim3A_7 masked %eq3A_393 {add = true} : memref<8192xf32, #tpu.memory_space<vmem>>[vector<16xi32>], vector<16xf32>, vector<16xi1>
      %eq3A_394 = arith.constant 12 : i32
      %eq3A_395 = vector.broadcast %eq3A_394 : i32 to vector<16xi32>
      %eq3A_396 = arith.cmpi eq, %iota3A, %eq3A_395 : vector<16xi32>
      tpu.vector_store_idx %arg5[%get3A_357], %broadcast_in_dim3A_7 masked %eq3A_396 {add = true} : memref<8192xf32, #tpu.memory_space<vmem>>[vector<16xi32>], vector<16xf32>, vector<16xi1>
      %eq3A_397 = arith.constant 13 : i32
      %eq3A_398 = vector.broadcast %eq3A_397 : i32 to vector<16xi32>
      %eq3A_399 = arith.cmpi eq, %iota3A, %eq3A_398 : vector<16xi32>
      tpu.vector_store_idx %arg5[%get3A_357], %broadcast_in_dim3A_7 masked %eq3A_399 {add = true} : memref<8192xf32, #tpu.memory_space<vmem>>[vector<16xi32>], vector<16xf32>, vector<16xi1>
      %eq3A_400 = arith.constant 14 : i32
      %eq3A_401 = vector.broadcast %eq3A_400 : i32 to vector<16xi32>
      %eq3A_402 = arith.cmpi eq, %iota3A, %eq3A_401 : vector<16xi32>
      tpu.vector_store_idx %arg5[%get3A_357], %broadcast_in_dim3A_7 masked %eq3A_402 {add = true} : memref<8192xf32, #tpu.memory_space<vmem>>[vector<16xi32>], vector<16xf32>, vector<16xi1>
      %eq3A_403 = arith.constant 15 : i32
      %eq3A_404 = vector.broadcast %eq3A_403 : i32 to vector<16xi32>
      %eq3A_405 = arith.cmpi eq, %iota3A, %eq3A_404 : vector<16xi32>
      tpu.vector_store_idx %arg5[%get3A_357], %broadcast_in_dim3A_7 masked %eq3A_405 {add = true} : memref<8192xf32, #tpu.memory_space<vmem>>[vector<16xi32>], vector<16xf32>, vector<16xi1>
      "tpu.region"() ({
        %run_scoped3A = tpu.sem_alloc : memref<!tpu.dma_semaphore, #tpu.memory_space<semaphore_mem>>
        %dma_start3A = arith.constant 0 : i32
        %dma_start3A_406 = tpu.memref_slice %arg3[%arg1, %dma_start3A] : memref<2x8192xf32, #tpu.memory_space<hbm>> -> memref<1x8192xf32, #tpu.memory_space<hbm>>
        %dma_start3A_407 = tpu.memref_squeeze %dma_start3A_406 : memref<1x8192xf32, #tpu.memory_space<hbm>> -> memref<8192xf32, #tpu.memory_space<hbm>>
        %dma_start3A_408 = arith.constant 0 : i32
        %dma_start3A_409 = tpu.memref_slice %arg3[%arg1, %dma_start3A_408] : memref<2x8192xf32, #tpu.memory_space<hbm>> -> memref<1x8192xf32, #tpu.memory_space<hbm>>
        %dma_start3A_410 = tpu.memref_squeeze %dma_start3A_409 : memref<1x8192xf32, #tpu.memory_space<hbm>> -> memref<8192xf32, #tpu.memory_space<hbm>>
        tpu.enqueue_dma source(%arg5 : memref<8192xf32, #tpu.memory_space<vmem>>) target(%dma_start3A_410 : memref<8192xf32, #tpu.memory_space<hbm>>) target_semaphore(%run_scoped3A : memref<!tpu.dma_semaphore, #tpu.memory_space<semaphore_mem>>)
        %dma_wait3A = arith.constant 0 : i32
        %dma_wait3A_411 = tpu.memref_slice %arg3[%arg1, %dma_wait3A] : memref<2x8192xf32, #tpu.memory_space<hbm>> -> memref<1x8192xf32, #tpu.memory_space<hbm>>
        %dma_wait3A_412 = tpu.memref_squeeze %dma_wait3A_411 : memref<1x8192xf32, #tpu.memory_space<hbm>> -> memref<8192xf32, #tpu.memory_space<hbm>>
        %dma_wait3A_413 = arith.constant 0 : i32
        %dma_wait3A_414 = tpu.memref_slice %arg3[%arg1, %dma_wait3A_413] : memref<2x8192xf32, #tpu.memory_space<hbm>> -> memref<1x8192xf32, #tpu.memory_space<hbm>>
        %dma_wait3A_415 = tpu.memref_squeeze %dma_wait3A_414 : memref<1x8192xf32, #tpu.memory_space<hbm>> -> memref<8192xf32, #tpu.memory_space<hbm>>
        tpu.wait_dma2 semaphore(%run_scoped3A : memref<!tpu.dma_semaphore, #tpu.memory_space<semaphore_mem>>) src(%arg5 : memref<8192xf32, #tpu.memory_space<vmem>>) dst(%dma_wait3A_415 : memref<8192xf32, #tpu.memory_space<hbm>>)
        tpu.yield
      }) : () -> ()
    } else {
    }
    return
  }
}

module attributes {stable_mosaic.version = 14 : i64} {
  func.func @_tc2_body(%arg0: memref<8x8192xf32, #tpu.memory_space<vmem>>, %arg1: memref<2x8192xf32, #tpu.memory_space<vmem>>, %arg2: memref<2x128xi32, #tpu.memory_space<smem>>, %arg3: memref<1x1xf32, #tpu.memory_space<vmem>>) attributes {dimension_semantics = [], scalar_prefetch = 0 : i64, scratch_operands = 0 : i64, tpu.core_type = #tpu.core_type<tc>} {
    %get3A = arith.constant 0 : index
    %get3A_0 = arith.constant 0 : index
    %get3A_1 = vector.load %arg0[%get3A, %get3A_0] : memref<8x8192xf32, #tpu.memory_space<vmem>>, vector<1x8192xf32>
    %broadcast_in_dim3A = arith.constant 0.000000e+00 : f32
    %broadcast_in_dim3A_2 = vector.broadcast %broadcast_in_dim3A : f32 to vector<1x8192xf32>
    %get3A_3 = arith.constant 1 : index
    %get3A_4 = arith.constant 0 : index
    %get3A_5 = vector.load %arg0[%get3A_3, %get3A_4] : memref<8x8192xf32, #tpu.memory_space<vmem>>, vector<1x8192xf32>
    %get3A_6 = arith.constant 2 : index
    %get3A_7 = arith.constant 0 : index
    %get3A_8 = vector.load %arg0[%get3A_6, %get3A_7] : memref<8x8192xf32, #tpu.memory_space<vmem>>, vector<1x8192xf32>
    %get3A_9 = arith.constant 3 : index
    %get3A_10 = arith.constant 0 : index
    %get3A_11 = vector.load %arg0[%get3A_9, %get3A_10] : memref<8x8192xf32, #tpu.memory_space<vmem>>, vector<1x8192xf32>
    %get3A_12 = arith.constant 4 : index
    %get3A_13 = arith.constant 0 : index
    %get3A_14 = vector.load %arg0[%get3A_12, %get3A_13] : memref<8x8192xf32, #tpu.memory_space<vmem>>, vector<1x8192xf32>
    %get3A_15 = arith.constant 5 : index
    %get3A_16 = arith.constant 0 : index
    %get3A_17 = vector.load %arg0[%get3A_15, %get3A_16] : memref<8x8192xf32, #tpu.memory_space<vmem>>, vector<1x8192xf32>
    %get3A_18 = arith.constant 6 : index
    %get3A_19 = arith.constant 0 : index
    %get3A_20 = vector.load %arg0[%get3A_18, %get3A_19] : memref<8x8192xf32, #tpu.memory_space<vmem>>, vector<1x8192xf32>
    %iota3A = tpu.iota {dimensions = array<i32: 1>} : vector<1x8192xi32>
    %get3A_21 = arith.constant 0 : index
    %get3A_22 = arith.constant 0 : index
    %get3A_23 = memref.load %arg2[%get3A_21, %get3A_22] : memref<2x128xi32, #tpu.memory_space<smem>>
    %eq3A = vector.broadcast %get3A_23 : i32 to vector<1x8192xi32>
    %eq3A_24 = arith.cmpi eq, %iota3A, %eq3A : vector<1x8192xi32>
    %convert_element_type3A = arith.extui %eq3A_24 : vector<1x8192xi1> to vector<1x8192xi32>
    %convert_element_type3A_25 = arith.sitofp %convert_element_type3A : vector<1x8192xi32> to vector<1x8192xf32>
    %add3A = arith.addf %broadcast_in_dim3A_2, %convert_element_type3A_25 : vector<1x8192xf32>
    %get3A_26 = arith.constant 0 : index
    %get3A_27 = arith.constant 127 : index
    %get3A_28 = memref.load %arg2[%get3A_26, %get3A_27] : memref<2x128xi32, #tpu.memory_space<smem>>
    %eq3A_29 = vector.broadcast %get3A_28 : i32 to vector<1x8192xi32>
    %eq3A_30 = arith.cmpi eq, %iota3A, %eq3A_29 : vector<1x8192xi32>
    %convert_element_type3A_31 = arith.extui %eq3A_30 : vector<1x8192xi1> to vector<1x8192xi32>
    %convert_element_type3A_32 = arith.sitofp %convert_element_type3A_31 : vector<1x8192xi32> to vector<1x8192xf32>
    %add3A_33 = arith.addf %broadcast_in_dim3A_2, %convert_element_type3A_32 : vector<1x8192xf32>
    %get3A_34 = arith.constant 0 : index
    %get3A_35 = arith.constant 1 : index
    %get3A_36 = memref.load %arg2[%get3A_34, %get3A_35] : memref<2x128xi32, #tpu.memory_space<smem>>
    %eq3A_37 = vector.broadcast %get3A_36 : i32 to vector<1x8192xi32>
    %eq3A_38 = arith.cmpi eq, %iota3A, %eq3A_37 : vector<1x8192xi32>
    %convert_element_type3A_39 = arith.extui %eq3A_38 : vector<1x8192xi1> to vector<1x8192xi32>
    %convert_element_type3A_40 = arith.sitofp %convert_element_type3A_39 : vector<1x8192xi32> to vector<1x8192xf32>
    %add3A_41 = arith.addf %add3A, %convert_element_type3A_40 : vector<1x8192xf32>
    %get3A_42 = arith.constant 0 : index
    %get3A_43 = arith.constant 126 : index
    %get3A_44 = memref.load %arg2[%get3A_42, %get3A_43] : memref<2x128xi32, #tpu.memory_space<smem>>
    %eq3A_45 = vector.broadcast %get3A_44 : i32 to vector<1x8192xi32>
    %eq3A_46 = arith.cmpi eq, %iota3A, %eq3A_45 : vector<1x8192xi32>
    %convert_element_type3A_47 = arith.extui %eq3A_46 : vector<1x8192xi1> to vector<1x8192xi32>
    %convert_element_type3A_48 = arith.sitofp %convert_element_type3A_47 : vector<1x8192xi32> to vector<1x8192xf32>
    %add3A_49 = arith.addf %add3A_33, %convert_element_type3A_48 : vector<1x8192xf32>
    %get3A_50 = arith.constant 0 : index
    %get3A_51 = arith.constant 2 : index
    %get3A_52 = memref.load %arg2[%get3A_50, %get3A_51] : memref<2x128xi32, #tpu.memory_space<smem>>
    %eq3A_53 = vector.broadcast %get3A_52 : i32 to vector<1x8192xi32>
    %eq3A_54 = arith.cmpi eq, %iota3A, %eq3A_53 : vector<1x8192xi32>
    %convert_element_type3A_55 = arith.extui %eq3A_54 : vector<1x8192xi1> to vector<1x8192xi32>
    %convert_element_type3A_56 = arith.sitofp %convert_element_type3A_55 : vector<1x8192xi32> to vector<1x8192xf32>
    %add3A_57 = arith.addf %add3A_41, %convert_element_type3A_56 : vector<1x8192xf32>
    %get3A_58 = arith.constant 0 : index
    %get3A_59 = arith.constant 125 : index
    %get3A_60 = memref.load %arg2[%get3A_58, %get3A_59] : memref<2x128xi32, #tpu.memory_space<smem>>
    %eq3A_61 = vector.broadcast %get3A_60 : i32 to vector<1x8192xi32>
    %eq3A_62 = arith.cmpi eq, %iota3A, %eq3A_61 : vector<1x8192xi32>
    %convert_element_type3A_63 = arith.extui %eq3A_62 : vector<1x8192xi1> to vector<1x8192xi32>
    %convert_element_type3A_64 = arith.sitofp %convert_element_type3A_63 : vector<1x8192xi32> to vector<1x8192xf32>
    %add3A_65 = arith.addf %add3A_49, %convert_element_type3A_64 : vector<1x8192xf32>
    %get3A_66 = arith.constant 1 : index
    %get3A_67 = arith.constant 0 : index
    %get3A_68 = memref.load %arg2[%get3A_66, %get3A_67] : memref<2x128xi32, #tpu.memory_space<smem>>
    %eq3A_69 = vector.broadcast %get3A_68 : i32 to vector<1x8192xi32>
    %eq3A_70 = arith.cmpi eq, %iota3A, %eq3A_69 : vector<1x8192xi32>
    %convert_element_type3A_71 = arith.extui %eq3A_70 : vector<1x8192xi1> to vector<1x8192xi32>
    %convert_element_type3A_72 = arith.sitofp %convert_element_type3A_71 : vector<1x8192xi32> to vector<1x8192xf32>
    %add3A_73 = arith.addf %broadcast_in_dim3A_2, %convert_element_type3A_72 : vector<1x8192xf32>
    %get3A_74 = arith.constant 1 : index
    %get3A_75 = arith.constant 127 : index
    %get3A_76 = memref.load %arg2[%get3A_74, %get3A_75] : memref<2x128xi32, #tpu.memory_space<smem>>
    %eq3A_77 = vector.broadcast %get3A_76 : i32 to vector<1x8192xi32>
    %eq3A_78 = arith.cmpi eq, %iota3A, %eq3A_77 : vector<1x8192xi32>
    %convert_element_type3A_79 = arith.extui %eq3A_78 : vector<1x8192xi1> to vector<1x8192xi32>
    %convert_element_type3A_80 = arith.sitofp %convert_element_type3A_79 : vector<1x8192xi32> to vector<1x8192xf32>
    %add3A_81 = arith.addf %broadcast_in_dim3A_2, %convert_element_type3A_80 : vector<1x8192xf32>
    %get3A_82 = arith.constant 1 : index
    %get3A_83 = arith.constant 1 : index
    %get3A_84 = memref.load %arg2[%get3A_82, %get3A_83] : memref<2x128xi32, #tpu.memory_space<smem>>
    %eq3A_85 = vector.broadcast %get3A_84 : i32 to vector<1x8192xi32>
    %eq3A_86 = arith.cmpi eq, %iota3A, %eq3A_85 : vector<1x8192xi32>
    %convert_element_type3A_87 = arith.extui %eq3A_86 : vector<1x8192xi1> to vector<1x8192xi32>
    %convert_element_type3A_88 = arith.sitofp %convert_element_type3A_87 : vector<1x8192xi32> to vector<1x8192xf32>
    %add3A_89 = arith.addf %add3A_73, %convert_element_type3A_88 : vector<1x8192xf32>
    %get3A_90 = arith.constant 1 : index
    %get3A_91 = arith.constant 126 : index
    %get3A_92 = memref.load %arg2[%get3A_90, %get3A_91] : memref<2x128xi32, #tpu.memory_space<smem>>
    %eq3A_93 = vector.broadcast %get3A_92 : i32 to vector<1x8192xi32>
    %eq3A_94 = arith.cmpi eq, %iota3A, %eq3A_93 : vector<1x8192xi32>
    %convert_element_type3A_95 = arith.extui %eq3A_94 : vector<1x8192xi1> to vector<1x8192xi32>
    %convert_element_type3A_96 = arith.sitofp %convert_element_type3A_95 : vector<1x8192xi32> to vector<1x8192xf32>
    %add3A_97 = arith.addf %add3A_81, %convert_element_type3A_96 : vector<1x8192xf32>
    %get3A_98 = arith.constant 1 : index
    %get3A_99 = arith.constant 2 : index
    %get3A_100 = memref.load %arg2[%get3A_98, %get3A_99] : memref<2x128xi32, #tpu.memory_space<smem>>
    %eq3A_101 = vector.broadcast %get3A_100 : i32 to vector<1x8192xi32>
    %eq3A_102 = arith.cmpi eq, %iota3A, %eq3A_101 : vector<1x8192xi32>
    %convert_element_type3A_103 = arith.extui %eq3A_102 : vector<1x8192xi1> to vector<1x8192xi32>
    %convert_element_type3A_104 = arith.sitofp %convert_element_type3A_103 : vector<1x8192xi32> to vector<1x8192xf32>
    %add3A_105 = arith.addf %add3A_89, %convert_element_type3A_104 : vector<1x8192xf32>
    %get3A_106 = arith.constant 1 : index
    %get3A_107 = arith.constant 125 : index
    %get3A_108 = memref.load %arg2[%get3A_106, %get3A_107] : memref<2x128xi32, #tpu.memory_space<smem>>
    %eq3A_109 = vector.broadcast %get3A_108 : i32 to vector<1x8192xi32>
    %eq3A_110 = arith.cmpi eq, %iota3A, %eq3A_109 : vector<1x8192xi32>
    %convert_element_type3A_111 = arith.extui %eq3A_110 : vector<1x8192xi1> to vector<1x8192xi32>
    %convert_element_type3A_112 = arith.sitofp %convert_element_type3A_111 : vector<1x8192xi32> to vector<1x8192xf32>
    %add3A_113 = arith.addf %add3A_97, %convert_element_type3A_112 : vector<1x8192xf32>
    %sub3A = arith.subf %get3A_1, %broadcast_in_dim3A_2 : vector<1x8192xf32>
    %sub3A_114 = arith.subf %sub3A, %broadcast_in_dim3A_2 : vector<1x8192xf32>
    %get3A_115 = arith.constant 0 : index
    %get3A_116 = arith.constant 0 : index
    %get3A_117 = vector.load %arg1[%get3A_115, %get3A_116] : memref<2x8192xf32, #tpu.memory_space<vmem>>, vector<1x8192xf32>
    %sub3A_118 = arith.subf %get3A_117, %broadcast_in_dim3A_2 : vector<1x8192xf32>
    %sub3A_119 = arith.subf %sub3A_118, %broadcast_in_dim3A_2 : vector<1x8192xf32>
    %get3A_120 = arith.constant 1 : index
    %get3A_121 = arith.constant 0 : index
    %get3A_122 = vector.load %arg1[%get3A_120, %get3A_121] : memref<2x8192xf32, #tpu.memory_space<vmem>>, vector<1x8192xf32>
    %sub3A_123 = arith.subf %get3A_122, %broadcast_in_dim3A_2 : vector<1x8192xf32>
    %sub3A_124 = arith.subf %sub3A_123, %broadcast_in_dim3A_2 : vector<1x8192xf32>
    %max3A = arith.maximumf %sub3A_119, %sub3A_124 : vector<1x8192xf32>
    %add3A_125 = arith.addf %broadcast_in_dim3A_2, %sub3A_114 : vector<1x8192xf32>
    %min3A = arith.minimumf %sub3A_114, %max3A : vector<1x8192xf32>
    %add3A_126 = arith.addf %broadcast_in_dim3A_2, %min3A : vector<1x8192xf32>
    %reduce_sum3A = vector.shape_cast %add3A_126 : vector<1x8192xf32> to vector<1x1x8192xf32>
    %reduce_sum3A_127 = arith.constant dense<0.000000e+00> : vector<1xf32>
    %reduce_sum3A_128 = vector.multi_reduction <add>, %reduce_sum3A, %reduce_sum3A_127 [1, 2] : vector<1x1x8192xf32> to vector<1xf32>
    %reduce_sum3A_129 = vector.shape_cast %reduce_sum3A_128 : vector<1xf32> to vector<1x1x1xf32>
    %reduce_sum3A_130 = vector.extract %reduce_sum3A_129[0, 0, 0] : f32 from vector<1x1x1xf32>
    %reduce_sum3A_131 = vector.shape_cast %add3A_125 : vector<1x8192xf32> to vector<1x1x8192xf32>
    %reduce_sum3A_132 = arith.constant dense<0.000000e+00> : vector<1xf32>
    %reduce_sum3A_133 = vector.multi_reduction <add>, %reduce_sum3A_131, %reduce_sum3A_132 [1, 2] : vector<1x1x8192xf32> to vector<1xf32>
    %reduce_sum3A_134 = vector.shape_cast %reduce_sum3A_133 : vector<1xf32> to vector<1x1x1xf32>
    %reduce_sum3A_135 = vector.extract %reduce_sum3A_134[0, 0, 0] : f32 from vector<1x1x1xf32>
    %add3A_136 = arith.constant 1.000000e-10 : f32
    %add3A_137 = arith.addf %reduce_sum3A_130, %add3A_136 : f32
    %add3A_138 = arith.constant 1.000000e-10 : f32
    %add3A_139 = arith.addf %reduce_sum3A_135, %add3A_138 : f32
    %div3A = arith.divf %add3A_137, %add3A_139 : f32
    %max3A_140 = arith.constant 1.000000e-10 : f32
    %max3A_141 = arith.maximumf %div3A, %max3A_140 : f32
    %log3A = math.log %max3A_141 : f32
    %add3A_142 = arith.constant 0.000000e+00 : f32
    %add3A_143 = arith.addf %add3A_142, %log3A : f32
    %sub3A_144 = arith.subf %get3A_1, %broadcast_in_dim3A_2 : vector<1x8192xf32>
    %sub3A_145 = arith.subf %sub3A_144, %get3A_14 : vector<1x8192xf32>
    %get3A_146 = arith.constant 0 : index
    %get3A_147 = arith.constant 0 : index
    %get3A_148 = vector.load %arg1[%get3A_146, %get3A_147] : memref<2x8192xf32, #tpu.memory_space<vmem>>, vector<1x8192xf32>
    %sub3A_149 = arith.subf %get3A_148, %broadcast_in_dim3A_2 : vector<1x8192xf32>
    %sub3A_150 = arith.subf %sub3A_149, %add3A_33 : vector<1x8192xf32>
    %get3A_151 = arith.constant 1 : index
    %get3A_152 = arith.constant 0 : index
    %get3A_153 = vector.load %arg1[%get3A_151, %get3A_152] : memref<2x8192xf32, #tpu.memory_space<vmem>>, vector<1x8192xf32>
    %sub3A_154 = arith.subf %get3A_153, %broadcast_in_dim3A_2 : vector<1x8192xf32>
    %sub3A_155 = arith.subf %sub3A_154, %add3A_81 : vector<1x8192xf32>
    %max3A_156 = arith.maximumf %sub3A_150, %sub3A_155 : vector<1x8192xf32>
    %add3A_157 = arith.addf %broadcast_in_dim3A_2, %sub3A_145 : vector<1x8192xf32>
    %min3A_158 = arith.minimumf %sub3A_145, %max3A_156 : vector<1x8192xf32>
    %add3A_159 = arith.addf %broadcast_in_dim3A_2, %min3A_158 : vector<1x8192xf32>
    %sub3A_160 = arith.subf %get3A_1, %get3A_5 : vector<1x8192xf32>
    %sub3A_161 = arith.subf %sub3A_160, %broadcast_in_dim3A_2 : vector<1x8192xf32>
    %get3A_162 = arith.constant 0 : index
    %get3A_163 = arith.constant 0 : index
    %get3A_164 = vector.load %arg1[%get3A_162, %get3A_163] : memref<2x8192xf32, #tpu.memory_space<vmem>>, vector<1x8192xf32>
    %sub3A_165 = arith.subf %get3A_164, %add3A : vector<1x8192xf32>
    %sub3A_166 = arith.subf %sub3A_165, %broadcast_in_dim3A_2 : vector<1x8192xf32>
    %get3A_167 = arith.constant 1 : index
    %get3A_168 = arith.constant 0 : index
    %get3A_169 = vector.load %arg1[%get3A_167, %get3A_168] : memref<2x8192xf32, #tpu.memory_space<vmem>>, vector<1x8192xf32>
    %sub3A_170 = arith.subf %get3A_169, %add3A_73 : vector<1x8192xf32>
    %sub3A_171 = arith.subf %sub3A_170, %broadcast_in_dim3A_2 : vector<1x8192xf32>
    %max3A_172 = arith.maximumf %sub3A_166, %sub3A_171 : vector<1x8192xf32>
    %add3A_173 = arith.addf %add3A_157, %sub3A_161 : vector<1x8192xf32>
    %min3A_174 = arith.minimumf %sub3A_161, %max3A_172 : vector<1x8192xf32>
    %add3A_175 = arith.addf %add3A_159, %min3A_174 : vector<1x8192xf32>
    %reduce_sum3A_176 = vector.shape_cast %add3A_175 : vector<1x8192xf32> to vector<1x1x8192xf32>
    %reduce_sum3A_177 = arith.constant dense<0.000000e+00> : vector<1xf32>
    %reduce_sum3A_178 = vector.multi_reduction <add>, %reduce_sum3A_176, %reduce_sum3A_177 [1, 2] : vector<1x1x8192xf32> to vector<1xf32>
    %reduce_sum3A_179 = vector.shape_cast %reduce_sum3A_178 : vector<1xf32> to vector<1x1x1xf32>
    %reduce_sum3A_180 = vector.extract %reduce_sum3A_179[0, 0, 0] : f32 from vector<1x1x1xf32>
    %reduce_sum3A_181 = vector.shape_cast %add3A_173 : vector<1x8192xf32> to vector<1x1x8192xf32>
    %reduce_sum3A_182 = arith.constant dense<0.000000e+00> : vector<1xf32>
    %reduce_sum3A_183 = vector.multi_reduction <add>, %reduce_sum3A_181, %reduce_sum3A_182 [1, 2] : vector<1x1x8192xf32> to vector<1xf32>
    %reduce_sum3A_184 = vector.shape_cast %reduce_sum3A_183 : vector<1xf32> to vector<1x1x1xf32>
    %reduce_sum3A_185 = vector.extract %reduce_sum3A_184[0, 0, 0] : f32 from vector<1x1x1xf32>
    %add3A_186 = arith.constant 1.000000e-10 : f32
    %add3A_187 = arith.addf %reduce_sum3A_180, %add3A_186 : f32
    %add3A_188 = arith.constant 1.000000e-10 : f32
    %add3A_189 = arith.addf %reduce_sum3A_185, %add3A_188 : f32
    %div3A_190 = arith.divf %add3A_187, %add3A_189 : f32
    %max3A_191 = arith.constant 1.000000e-10 : f32
    %max3A_192 = arith.maximumf %div3A_190, %max3A_191 : f32
    %log3A_193 = math.log %max3A_192 : f32
    %add3A_194 = arith.addf %add3A_143, %log3A_193 : f32
    %sub3A_195 = arith.subf %get3A_1, %broadcast_in_dim3A_2 : vector<1x8192xf32>
    %sub3A_196 = arith.subf %sub3A_195, %get3A_17 : vector<1x8192xf32>
    %get3A_197 = arith.constant 0 : index
    %get3A_198 = arith.constant 0 : index
    %get3A_199 = vector.load %arg1[%get3A_197, %get3A_198] : memref<2x8192xf32, #tpu.memory_space<vmem>>, vector<1x8192xf32>
    %sub3A_200 = arith.subf %get3A_199, %broadcast_in_dim3A_2 : vector<1x8192xf32>
    %sub3A_201 = arith.subf %sub3A_200, %add3A_49 : vector<1x8192xf32>
    %get3A_202 = arith.constant 1 : index
    %get3A_203 = arith.constant 0 : index
    %get3A_204 = vector.load %arg1[%get3A_202, %get3A_203] : memref<2x8192xf32, #tpu.memory_space<vmem>>, vector<1x8192xf32>
    %sub3A_205 = arith.subf %get3A_204, %broadcast_in_dim3A_2 : vector<1x8192xf32>
    %sub3A_206 = arith.subf %sub3A_205, %add3A_97 : vector<1x8192xf32>
    %max3A_207 = arith.maximumf %sub3A_201, %sub3A_206 : vector<1x8192xf32>
    %add3A_208 = arith.addf %broadcast_in_dim3A_2, %sub3A_196 : vector<1x8192xf32>
    %min3A_209 = arith.minimumf %sub3A_196, %max3A_207 : vector<1x8192xf32>
    %add3A_210 = arith.addf %broadcast_in_dim3A_2, %min3A_209 : vector<1x8192xf32>
    %sub3A_211 = arith.subf %get3A_1, %get3A_5 : vector<1x8192xf32>
    %sub3A_212 = arith.subf %sub3A_211, %get3A_14 : vector<1x8192xf32>
    %get3A_213 = arith.constant 0 : index
    %get3A_214 = arith.constant 0 : index
    %get3A_215 = vector.load %arg1[%get3A_213, %get3A_214] : memref<2x8192xf32, #tpu.memory_space<vmem>>, vector<1x8192xf32>
    %sub3A_216 = arith.subf %get3A_215, %add3A : vector<1x8192xf32>
    %sub3A_217 = arith.subf %sub3A_216, %add3A_33 : vector<1x8192xf32>
    %get3A_218 = arith.constant 1 : index
    %get3A_219 = arith.constant 0 : index
    %get3A_220 = vector.load %arg1[%get3A_218, %get3A_219] : memref<2x8192xf32, #tpu.memory_space<vmem>>, vector<1x8192xf32>
    %sub3A_221 = arith.subf %get3A_220, %add3A_73 : vector<1x8192xf32>
    %sub3A_222 = arith.subf %sub3A_221, %add3A_81 : vector<1x8192xf32>
    %max3A_223 = arith.maximumf %sub3A_217, %sub3A_222 : vector<1x8192xf32>
    %add3A_224 = arith.addf %add3A_208, %sub3A_212 : vector<1x8192xf32>
    %min3A_225 = arith.minimumf %sub3A_212, %max3A_223 : vector<1x8192xf32>
    %add3A_226 = arith.addf %add3A_210, %min3A_225 : vector<1x8192xf32>
    %sub3A_227 = arith.subf %get3A_1, %get3A_8 : vector<1x8192xf32>
    %sub3A_228 = arith.subf %sub3A_227, %broadcast_in_dim3A_2 : vector<1x8192xf32>
    %get3A_229 = arith.constant 0 : index
    %get3A_230 = arith.constant 0 : index
    %get3A_231 = vector.load %arg1[%get3A_229, %get3A_230] : memref<2x8192xf32, #tpu.memory_space<vmem>>, vector<1x8192xf32>
    %sub3A_232 = arith.subf %get3A_231, %add3A_41 : vector<1x8192xf32>
    %sub3A_233 = arith.subf %sub3A_232, %broadcast_in_dim3A_2 : vector<1x8192xf32>
    %get3A_234 = arith.constant 1 : index
    %get3A_235 = arith.constant 0 : index
    %get3A_236 = vector.load %arg1[%get3A_234, %get3A_235] : memref<2x8192xf32, #tpu.memory_space<vmem>>, vector<1x8192xf32>
    %sub3A_237 = arith.subf %get3A_236, %add3A_89 : vector<1x8192xf32>
    %sub3A_238 = arith.subf %sub3A_237, %broadcast_in_dim3A_2 : vector<1x8192xf32>
    %max3A_239 = arith.maximumf %sub3A_233, %sub3A_238 : vector<1x8192xf32>
    %add3A_240 = arith.addf %add3A_224, %sub3A_228 : vector<1x8192xf32>
    %min3A_241 = arith.minimumf %sub3A_228, %max3A_239 : vector<1x8192xf32>
    %add3A_242 = arith.addf %add3A_226, %min3A_241 : vector<1x8192xf32>
    %reduce_sum3A_243 = vector.shape_cast %add3A_242 : vector<1x8192xf32> to vector<1x1x8192xf32>
    %reduce_sum3A_244 = arith.constant dense<0.000000e+00> : vector<1xf32>
    %reduce_sum3A_245 = vector.multi_reduction <add>, %reduce_sum3A_243, %reduce_sum3A_244 [1, 2] : vector<1x1x8192xf32> to vector<1xf32>
    %reduce_sum3A_246 = vector.shape_cast %reduce_sum3A_245 : vector<1xf32> to vector<1x1x1xf32>
    %reduce_sum3A_247 = vector.extract %reduce_sum3A_246[0, 0, 0] : f32 from vector<1x1x1xf32>
    %reduce_sum3A_248 = vector.shape_cast %add3A_240 : vector<1x8192xf32> to vector<1x1x8192xf32>
    %reduce_sum3A_249 = arith.constant dense<0.000000e+00> : vector<1xf32>
    %reduce_sum3A_250 = vector.multi_reduction <add>, %reduce_sum3A_248, %reduce_sum3A_249 [1, 2] : vector<1x1x8192xf32> to vector<1xf32>
    %reduce_sum3A_251 = vector.shape_cast %reduce_sum3A_250 : vector<1xf32> to vector<1x1x1xf32>
    %reduce_sum3A_252 = vector.extract %reduce_sum3A_251[0, 0, 0] : f32 from vector<1x1x1xf32>
    %add3A_253 = arith.constant 1.000000e-10 : f32
    %add3A_254 = arith.addf %reduce_sum3A_247, %add3A_253 : f32
    %add3A_255 = arith.constant 1.000000e-10 : f32
    %add3A_256 = arith.addf %reduce_sum3A_252, %add3A_255 : f32
    %div3A_257 = arith.divf %add3A_254, %add3A_256 : f32
    %max3A_258 = arith.constant 1.000000e-10 : f32
    %max3A_259 = arith.maximumf %div3A_257, %max3A_258 : f32
    %log3A_260 = math.log %max3A_259 : f32
    %add3A_261 = arith.addf %add3A_194, %log3A_260 : f32
    %sub3A_262 = arith.subf %get3A_1, %broadcast_in_dim3A_2 : vector<1x8192xf32>
    %sub3A_263 = arith.subf %sub3A_262, %get3A_20 : vector<1x8192xf32>
    %get3A_264 = arith.constant 0 : index
    %get3A_265 = arith.constant 0 : index
    %get3A_266 = vector.load %arg1[%get3A_264, %get3A_265] : memref<2x8192xf32, #tpu.memory_space<vmem>>, vector<1x8192xf32>
    %sub3A_267 = arith.subf %get3A_266, %broadcast_in_dim3A_2 : vector<1x8192xf32>
    %sub3A_268 = arith.subf %sub3A_267, %add3A_65 : vector<1x8192xf32>
    %get3A_269 = arith.constant 1 : index
    %get3A_270 = arith.constant 0 : index
    %get3A_271 = vector.load %arg1[%get3A_269, %get3A_270] : memref<2x8192xf32, #tpu.memory_space<vmem>>, vector<1x8192xf32>
    %sub3A_272 = arith.subf %get3A_271, %broadcast_in_dim3A_2 : vector<1x8192xf32>
    %sub3A_273 = arith.subf %sub3A_272, %add3A_113 : vector<1x8192xf32>
    %max3A_274 = arith.maximumf %sub3A_268, %sub3A_273 : vector<1x8192xf32>
    %add3A_275 = arith.addf %broadcast_in_dim3A_2, %sub3A_263 : vector<1x8192xf32>
    %min3A_276 = arith.minimumf %sub3A_263, %max3A_274 : vector<1x8192xf32>
    %add3A_277 = arith.addf %broadcast_in_dim3A_2, %min3A_276 : vector<1x8192xf32>
    %sub3A_278 = arith.subf %get3A_1, %get3A_5 : vector<1x8192xf32>
    %sub3A_279 = arith.subf %sub3A_278, %get3A_17 : vector<1x8192xf32>
    %get3A_280 = arith.constant 0 : index
    %get3A_281 = arith.constant 0 : index
    %get3A_282 = vector.load %arg1[%get3A_280, %get3A_281] : memref<2x8192xf32, #tpu.memory_space<vmem>>, vector<1x8192xf32>
    %sub3A_283 = arith.subf %get3A_282, %add3A : vector<1x8192xf32>
    %sub3A_284 = arith.subf %sub3A_283, %add3A_49 : vector<1x8192xf32>
    %get3A_285 = arith.constant 1 : index
    %get3A_286 = arith.constant 0 : index
    %get3A_287 = vector.load %arg1[%get3A_285, %get3A_286] : memref<2x8192xf32, #tpu.memory_space<vmem>>, vector<1x8192xf32>
    %sub3A_288 = arith.subf %get3A_287, %add3A_73 : vector<1x8192xf32>
    %sub3A_289 = arith.subf %sub3A_288, %add3A_97 : vector<1x8192xf32>
    %max3A_290 = arith.maximumf %sub3A_284, %sub3A_289 : vector<1x8192xf32>
    %add3A_291 = arith.addf %add3A_275, %sub3A_279 : vector<1x8192xf32>
    %min3A_292 = arith.minimumf %sub3A_279, %max3A_290 : vector<1x8192xf32>
    %add3A_293 = arith.addf %add3A_277, %min3A_292 : vector<1x8192xf32>
    %sub3A_294 = arith.subf %get3A_1, %get3A_8 : vector<1x8192xf32>
    %sub3A_295 = arith.subf %sub3A_294, %get3A_14 : vector<1x8192xf32>
    %get3A_296 = arith.constant 0 : index
    %get3A_297 = arith.constant 0 : index
    %get3A_298 = vector.load %arg1[%get3A_296, %get3A_297] : memref<2x8192xf32, #tpu.memory_space<vmem>>, vector<1x8192xf32>
    %sub3A_299 = arith.subf %get3A_298, %add3A_41 : vector<1x8192xf32>
    %sub3A_300 = arith.subf %sub3A_299, %add3A_33 : vector<1x8192xf32>
    %get3A_301 = arith.constant 1 : index
    %get3A_302 = arith.constant 0 : index
    %get3A_303 = vector.load %arg1[%get3A_301, %get3A_302] : memref<2x8192xf32, #tpu.memory_space<vmem>>, vector<1x8192xf32>
    %sub3A_304 = arith.subf %get3A_303, %add3A_89 : vector<1x8192xf32>
    %sub3A_305 = arith.subf %sub3A_304, %add3A_81 : vector<1x8192xf32>
    %max3A_306 = arith.maximumf %sub3A_300, %sub3A_305 : vector<1x8192xf32>
    %add3A_307 = arith.addf %add3A_291, %sub3A_295 : vector<1x8192xf32>
    %min3A_308 = arith.minimumf %sub3A_295, %max3A_306 : vector<1x8192xf32>
    %add3A_309 = arith.addf %add3A_293, %min3A_308 : vector<1x8192xf32>
    %sub3A_310 = arith.subf %get3A_1, %get3A_11 : vector<1x8192xf32>
    %sub3A_311 = arith.subf %sub3A_310, %broadcast_in_dim3A_2 : vector<1x8192xf32>
    %get3A_312 = arith.constant 0 : index
    %get3A_313 = arith.constant 0 : index
    %get3A_314 = vector.load %arg1[%get3A_312, %get3A_313] : memref<2x8192xf32, #tpu.memory_space<vmem>>, vector<1x8192xf32>
    %sub3A_315 = arith.subf %get3A_314, %add3A_57 : vector<1x8192xf32>
    %sub3A_316 = arith.subf %sub3A_315, %broadcast_in_dim3A_2 : vector<1x8192xf32>
    %get3A_317 = arith.constant 1 : index
    %get3A_318 = arith.constant 0 : index
    %get3A_319 = vector.load %arg1[%get3A_317, %get3A_318] : memref<2x8192xf32, #tpu.memory_space<vmem>>, vector<1x8192xf32>
    %sub3A_320 = arith.subf %get3A_319, %add3A_105 : vector<1x8192xf32>
    %sub3A_321 = arith.subf %sub3A_320, %broadcast_in_dim3A_2 : vector<1x8192xf32>
    %max3A_322 = arith.maximumf %sub3A_316, %sub3A_321 : vector<1x8192xf32>
    %add3A_323 = arith.addf %add3A_307, %sub3A_311 : vector<1x8192xf32>
    %min3A_324 = arith.minimumf %sub3A_311, %max3A_322 : vector<1x8192xf32>
    %add3A_325 = arith.addf %add3A_309, %min3A_324 : vector<1x8192xf32>
    %reduce_sum3A_326 = vector.shape_cast %add3A_325 : vector<1x8192xf32> to vector<1x1x8192xf32>
    %reduce_sum3A_327 = arith.constant dense<0.000000e+00> : vector<1xf32>
    %reduce_sum3A_328 = vector.multi_reduction <add>, %reduce_sum3A_326, %reduce_sum3A_327 [1, 2] : vector<1x1x8192xf32> to vector<1xf32>
    %reduce_sum3A_329 = vector.shape_cast %reduce_sum3A_328 : vector<1xf32> to vector<1x1x1xf32>
    %reduce_sum3A_330 = vector.extract %reduce_sum3A_329[0, 0, 0] : f32 from vector<1x1x1xf32>
    %reduce_sum3A_331 = vector.shape_cast %add3A_323 : vector<1x8192xf32> to vector<1x1x8192xf32>
    %reduce_sum3A_332 = arith.constant dense<0.000000e+00> : vector<1xf32>
    %reduce_sum3A_333 = vector.multi_reduction <add>, %reduce_sum3A_331, %reduce_sum3A_332 [1, 2] : vector<1x1x8192xf32> to vector<1xf32>
    %reduce_sum3A_334 = vector.shape_cast %reduce_sum3A_333 : vector<1xf32> to vector<1x1x1xf32>
    %reduce_sum3A_335 = vector.extract %reduce_sum3A_334[0, 0, 0] : f32 from vector<1x1x1xf32>
    %add3A_336 = arith.constant 1.000000e-10 : f32
    %add3A_337 = arith.addf %reduce_sum3A_330, %add3A_336 : f32
    %add3A_338 = arith.constant 1.000000e-10 : f32
    %add3A_339 = arith.addf %reduce_sum3A_335, %add3A_338 : f32
    %div3A_340 = arith.divf %add3A_337, %add3A_339 : f32
    %max3A_341 = arith.constant 1.000000e-10 : f32
    %max3A_342 = arith.maximumf %div3A_340, %max3A_341 : f32
    %log3A_343 = math.log %max3A_342 : f32
    %add3A_344 = arith.addf %add3A_261, %log3A_343 : f32
    %div3A_345 = arith.constant 4.000000e+00 : f32
    %div3A_346 = arith.divf %add3A_344, %div3A_345 : f32
    %exp3A = math.exp %div3A_346 : f32
    %broadcast_in_dim3A_347 = vector.broadcast %exp3A : f32 to vector<1x1xf32>
    %swap3A = arith.constant 0 : index
    %swap3A_348 = arith.constant 0 : index
    %swap3A_349 = vector.load %arg3[%swap3A, %swap3A_348] : memref<1x1xf32, #tpu.memory_space<vmem>>, vector<1x1xf32>
    tpu.vector_store %arg3[%swap3A, %swap3A_348], %broadcast_in_dim3A_347 {strides = array<i32>} : memref<1x1xf32, #tpu.memory_space<vmem>>, vector<1x1xf32>,
    return
  }
}

module attributes {stable_mosaic.version = 14 : i64} {
  func.func @_tc1_body(%arg0: memref<128x8192xf32, #tpu.memory_space<any>>, %arg1: memref<8x8192xf32, #tpu.memory_space<vmem>>, %arg2: memref<32x8192xf32, #tpu.memory_space<vmem>>, %arg3: memref<32x8192xf32, #tpu.memory_space<vmem>>, %arg4: memref<!tpu.dma_semaphore, #tpu.memory_space<semaphore_mem>>, %arg5: memref<!tpu.dma_semaphore, #tpu.memory_space<semaphore_mem>>) attributes {dimension_semantics = [], scalar_prefetch = 0 : i64, scratch_operands = 4 : i64, tpu.core_type = #tpu.core_type<tc>} {
    %dma_start3A = arith.constant 0 : i32
    %dma_start3A_0 = arith.constant 0 : i32
    %dma_start3A_1 = tpu.memref_slice %arg0[%dma_start3A, %dma_start3A_0] : memref<128x8192xf32, #tpu.memory_space<any>> -> memref<32x8192xf32, #tpu.memory_space<any>>
    tpu.enqueue_dma source(%dma_start3A_1 : memref<32x8192xf32, #tpu.memory_space<any>>) target(%arg2 : memref<32x8192xf32, #tpu.memory_space<vmem>>) target_semaphore(%arg4 : memref<!tpu.dma_semaphore, #tpu.memory_space<semaphore_mem>>)
    %dma_start3A_2 = arith.constant 32 : i32
    %dma_start3A_3 = arith.constant 0 : i32
    %dma_start3A_4 = tpu.memref_slice %arg0[%dma_start3A_2, %dma_start3A_3] : memref<128x8192xf32, #tpu.memory_space<any>> -> memref<32x8192xf32, #tpu.memory_space<any>>
    tpu.enqueue_dma source(%dma_start3A_4 : memref<32x8192xf32, #tpu.memory_space<any>>) target(%arg3 : memref<32x8192xf32, #tpu.memory_space<vmem>>) target_semaphore(%arg5 : memref<!tpu.dma_semaphore, #tpu.memory_space<semaphore_mem>>)
    %dma_wait3A = arith.constant 0 : i32
    %dma_wait3A_5 = arith.constant 0 : i32
    %dma_wait3A_6 = tpu.memref_slice %arg0[%dma_wait3A, %dma_wait3A_5] : memref<128x8192xf32, #tpu.memory_space<any>> -> memref<32x8192xf32, #tpu.memory_space<any>>
    tpu.wait_dma2 semaphore(%arg4 : memref<!tpu.dma_semaphore, #tpu.memory_space<semaphore_mem>>) src(%dma_wait3A_6 : memref<32x8192xf32, #tpu.memory_space<any>>) dst(%arg2 : memref<32x8192xf32, #tpu.memory_space<vmem>>)
    %get3A = arith.constant 0 : index
    %get3A_7 = arith.constant 0 : index
    %get3A_8 = vector.load %arg2[%get3A, %get3A_7] : memref<32x8192xf32, #tpu.memory_space<vmem>>, vector<32x8192xf32>
    %reduce_max3A = arith.constant dense<0xFF800000> : vector<32xf32>
    %reduce_max3A_9 = vector.multi_reduction <maximumf>, %get3A_8, %reduce_max3A [1] : vector<32x8192xf32> to vector<32xf32>
    %broadcast_in_dim3A = vector.shape_cast %reduce_max3A_9 : vector<32xf32> to vector<32x1xf32>
    %sub3A = vector.broadcast %broadcast_in_dim3A : vector<32x1xf32> to vector<32x8192xf32>
    %sub3A_10 = arith.subf %get3A_8, %sub3A : vector<32x8192xf32>
    %exp3A = math.exp %sub3A_10 : vector<32x8192xf32>
    %reduce_sum3A = arith.constant dense<0.000000e+00> : vector<32xf32>
    %reduce_sum3A_11 = vector.multi_reduction <add>, %exp3A, %reduce_sum3A [1] : vector<32x8192xf32> to vector<32xf32>
    %broadcast_in_dim3A_12 = vector.shape_cast %reduce_sum3A_11 : vector<32xf32> to vector<32x1xf32>
    %div3A = vector.broadcast %broadcast_in_dim3A_12 : vector<32x1xf32> to vector<32x8192xf32>
    %div3A_13 = arith.divf %exp3A, %div3A : vector<32x8192xf32>
    %dma_start3A_14 = arith.constant 64 : i32
    %dma_start3A_15 = arith.constant 0 : i32
    %dma_start3A_16 = tpu.memref_slice %arg0[%dma_start3A_14, %dma_start3A_15] : memref<128x8192xf32, #tpu.memory_space<any>> -> memref<32x8192xf32, #tpu.memory_space<any>>
    tpu.enqueue_dma source(%dma_start3A_16 : memref<32x8192xf32, #tpu.memory_space<any>>) target(%arg2 : memref<32x8192xf32, #tpu.memory_space<vmem>>) target_semaphore(%arg4 : memref<!tpu.dma_semaphore, #tpu.memory_space<semaphore_mem>>)
    %reduce_sum3A_17 = arith.constant dense<0.000000e+00> : vector<8192xf32>
    %reduce_sum3A_18 = vector.multi_reduction <add>, %div3A_13, %reduce_sum3A_17 [0] : vector<32x8192xf32> to vector<8192xf32>
    %broadcast_in_dim3A_19 = vector.shape_cast %reduce_sum3A_18 : vector<8192xf32> to vector<1x8192xf32>
    %slice3A = vector.extract_strided_slice %div3A_13 {offsets = [0, 0], sizes = [1, 8192], strides = [1, 1]} : vector<32x8192xf32> to vector<1x8192xf32>
    %slice3A_20 = vector.extract_strided_slice %div3A_13 {offsets = [1, 0], sizes = [1, 8192], strides = [1, 1]} : vector<32x8192xf32> to vector<1x8192xf32>
    %slice3A_21 = vector.extract_strided_slice %div3A_13 {offsets = [2, 0], sizes = [1, 8192], strides = [1, 1]} : vector<32x8192xf32> to vector<1x8192xf32>
    %dma_wait3A_22 = arith.constant 32 : i32
    %dma_wait3A_23 = arith.constant 0 : i32
    %dma_wait3A_24 = tpu.memref_slice %arg0[%dma_wait3A_22, %dma_wait3A_23] : memref<128x8192xf32, #tpu.memory_space<any>> -> memref<32x8192xf32, #tpu.memory_space<any>>
    tpu.wait_dma2 semaphore(%arg5 : memref<!tpu.dma_semaphore, #tpu.memory_space<semaphore_mem>>) src(%dma_wait3A_24 : memref<32x8192xf32, #tpu.memory_space<any>>) dst(%arg3 : memref<32x8192xf32, #tpu.memory_space<vmem>>)
    %get3A_25 = arith.constant 0 : index
    %get3A_26 = arith.constant 0 : index
    %get3A_27 = vector.load %arg3[%get3A_25, %get3A_26] : memref<32x8192xf32, #tpu.memory_space<vmem>>, vector<32x8192xf32>
    %reduce_max3A_28 = arith.constant dense<0xFF800000> : vector<32xf32>
    %reduce_max3A_29 = vector.multi_reduction <maximumf>, %get3A_27, %reduce_max3A_28 [1] : vector<32x8192xf32> to vector<32xf32>
    %broadcast_in_dim3A_30 = vector.shape_cast %reduce_max3A_29 : vector<32xf32> to vector<32x1xf32>
    %sub3A_31 = vector.broadcast %broadcast_in_dim3A_30 : vector<32x1xf32> to vector<32x8192xf32>
    %sub3A_32 = arith.subf %get3A_27, %sub3A_31 : vector<32x8192xf32>
    %exp3A_33 = math.exp %sub3A_32 : vector<32x8192xf32>
    %reduce_sum3A_34 = arith.constant dense<0.000000e+00> : vector<32xf32>
    %reduce_sum3A_35 = vector.multi_reduction <add>, %exp3A_33, %reduce_sum3A_34 [1] : vector<32x8192xf32> to vector<32xf32>
    %broadcast_in_dim3A_36 = vector.shape_cast %reduce_sum3A_35 : vector<32xf32> to vector<32x1xf32>
    %div3A_37 = vector.broadcast %broadcast_in_dim3A_36 : vector<32x1xf32> to vector<32x8192xf32>
    %div3A_38 = arith.divf %exp3A_33, %div3A_37 : vector<32x8192xf32>
    %dma_start3A_39 = arith.constant 96 : i32
    %dma_start3A_40 = arith.constant 0 : i32
    %dma_start3A_41 = tpu.memref_slice %arg0[%dma_start3A_39, %dma_start3A_40] : memref<128x8192xf32, #tpu.memory_space<any>> -> memref<32x8192xf32, #tpu.memory_space<any>>
    tpu.enqueue_dma source(%dma_start3A_41 : memref<32x8192xf32, #tpu.memory_space<any>>) target(%arg3 : memref<32x8192xf32, #tpu.memory_space<vmem>>) target_semaphore(%arg5 : memref<!tpu.dma_semaphore, #tpu.memory_space<semaphore_mem>>)
    %reduce_sum3A_42 = arith.constant dense<0.000000e+00> : vector<8192xf32>
    %reduce_sum3A_43 = vector.multi_reduction <add>, %div3A_38, %reduce_sum3A_42 [0] : vector<32x8192xf32> to vector<8192xf32>
    %broadcast_in_dim3A_44 = vector.shape_cast %reduce_sum3A_43 : vector<8192xf32> to vector<1x8192xf32>
    %add3A = arith.addf %broadcast_in_dim3A_19, %broadcast_in_dim3A_44 : vector<1x8192xf32>
    %dma_wait3A_45 = arith.constant 64 : i32
    %dma_wait3A_46 = arith.constant 0 : i32
    %dma_wait3A_47 = tpu.memref_slice %arg0[%dma_wait3A_45, %dma_wait3A_46] : memref<128x8192xf32, #tpu.memory_space<any>> -> memref<32x8192xf32, #tpu.memory_space<any>>
    tpu.wait_dma2 semaphore(%arg4 : memref<!tpu.dma_semaphore, #tpu.memory_space<semaphore_mem>>) src(%dma_wait3A_47 : memref<32x8192xf32, #tpu.memory_space<any>>) dst(%arg2 : memref<32x8192xf32, #tpu.memory_space<vmem>>)
    %get3A_48 = arith.constant 0 : index
    %get3A_49 = arith.constant 0 : index
    %get3A_50 = vector.load %arg2[%get3A_48, %get3A_49] : memref<32x8192xf32, #tpu.memory_space<vmem>>, vector<32x8192xf32>
    %reduce_max3A_51 = arith.constant dense<0xFF800000> : vector<32xf32>
    %reduce_max3A_52 = vector.multi_reduction <maximumf>, %get3A_50, %reduce_max3A_51 [1] : vector<32x8192xf32> to vector<32xf32>
    %broadcast_in_dim3A_53 = vector.shape_cast %reduce_max3A_52 : vector<32xf32> to vector<32x1xf32>
    %sub3A_54 = vector.broadcast %broadcast_in_dim3A_53 : vector<32x1xf32> to vector<32x8192xf32>
    %sub3A_55 = arith.subf %get3A_50, %sub3A_54 : vector<32x8192xf32>
    %exp3A_56 = math.exp %sub3A_55 : vector<32x8192xf32>
    %reduce_sum3A_57 = arith.constant dense<0.000000e+00> : vector<32xf32>
    %reduce_sum3A_58 = vector.multi_reduction <add>, %exp3A_56, %reduce_sum3A_57 [1] : vector<32x8192xf32> to vector<32xf32>
    %broadcast_in_dim3A_59 = vector.shape_cast %reduce_sum3A_58 : vector<32xf32> to vector<32x1xf32>
    %div3A_60 = vector.broadcast %broadcast_in_dim3A_59 : vector<32x1xf32> to vector<32x8192xf32>
    %div3A_61 = arith.divf %exp3A_56, %div3A_60 : vector<32x8192xf32>
    %reduce_sum3A_62 = arith.constant dense<0.000000e+00> : vector<8192xf32>
    %reduce_sum3A_63 = vector.multi_reduction <add>, %div3A_61, %reduce_sum3A_62 [0] : vector<32x8192xf32> to vector<8192xf32>
    %broadcast_in_dim3A_64 = vector.shape_cast %reduce_sum3A_63 : vector<8192xf32> to vector<1x8192xf32>
    %add3A_65 = arith.addf %add3A, %broadcast_in_dim3A_64 : vector<1x8192xf32>
    %dma_wait3A_66 = arith.constant 96 : i32
    %dma_wait3A_67 = arith.constant 0 : i32
    %dma_wait3A_68 = tpu.memref_slice %arg0[%dma_wait3A_66, %dma_wait3A_67] : memref<128x8192xf32, #tpu.memory_space<any>> -> memref<32x8192xf32, #tpu.memory_space<any>>
    tpu.wait_dma2 semaphore(%arg5 : memref<!tpu.dma_semaphore, #tpu.memory_space<semaphore_mem>>) src(%dma_wait3A_68 : memref<32x8192xf32, #tpu.memory_space<any>>) dst(%arg3 : memref<32x8192xf32, #tpu.memory_space<vmem>>)
    %get3A_69 = arith.constant 0 : index
    %get3A_70 = arith.constant 0 : index
    %get3A_71 = vector.load %arg3[%get3A_69, %get3A_70] : memref<32x8192xf32, #tpu.memory_space<vmem>>, vector<32x8192xf32>
    %reduce_max3A_72 = arith.constant dense<0xFF800000> : vector<32xf32>
    %reduce_max3A_73 = vector.multi_reduction <maximumf>, %get3A_71, %reduce_max3A_72 [1] : vector<32x8192xf32> to vector<32xf32>
    %broadcast_in_dim3A_74 = vector.shape_cast %reduce_max3A_73 : vector<32xf32> to vector<32x1xf32>
    %sub3A_75 = vector.broadcast %broadcast_in_dim3A_74 : vector<32x1xf32> to vector<32x8192xf32>
    %sub3A_76 = arith.subf %get3A_71, %sub3A_75 : vector<32x8192xf32>
    %exp3A_77 = math.exp %sub3A_76 : vector<32x8192xf32>
    %reduce_sum3A_78 = arith.constant dense<0.000000e+00> : vector<32xf32>
    %reduce_sum3A_79 = vector.multi_reduction <add>, %exp3A_77, %reduce_sum3A_78 [1] : vector<32x8192xf32> to vector<32xf32>
    %broadcast_in_dim3A_80 = vector.shape_cast %reduce_sum3A_79 : vector<32xf32> to vector<32x1xf32>
    %div3A_81 = vector.broadcast %broadcast_in_dim3A_80 : vector<32x1xf32> to vector<32x8192xf32>
    %div3A_82 = arith.divf %exp3A_77, %div3A_81 : vector<32x8192xf32>
    %reduce_sum3A_83 = arith.constant dense<0.000000e+00> : vector<8192xf32>
    %reduce_sum3A_84 = vector.multi_reduction <add>, %div3A_82, %reduce_sum3A_83 [0] : vector<32x8192xf32> to vector<8192xf32>
    %broadcast_in_dim3A_85 = vector.shape_cast %reduce_sum3A_84 : vector<8192xf32> to vector<1x8192xf32>
    %add3A_86 = arith.addf %add3A_65, %broadcast_in_dim3A_85 : vector<1x8192xf32>
    %slice3A_87 = vector.extract_strided_slice %div3A_82 {offsets = [31, 0], sizes = [1, 8192], strides = [1, 1]} : vector<32x8192xf32> to vector<1x8192xf32>
    %slice3A_88 = vector.extract_strided_slice %div3A_82 {offsets = [30, 0], sizes = [1, 8192], strides = [1, 1]} : vector<32x8192xf32> to vector<1x8192xf32>
    %slice3A_89 = vector.extract_strided_slice %div3A_82 {offsets = [29, 0], sizes = [1, 8192], strides = [1, 1]} : vector<32x8192xf32> to vector<1x8192xf32>
    %broadcast_in_dim3A_90 = arith.constant 0.000000e+00 : f32
    %broadcast_in_dim3A_91 = vector.broadcast %broadcast_in_dim3A_90 : f32 to vector<1x8192xf32>
    %add3A_92 = arith.addf %broadcast_in_dim3A_91, %slice3A : vector<1x8192xf32>
    %add3A_93 = arith.addf %add3A_92, %slice3A_20 : vector<1x8192xf32>
    %add3A_94 = arith.addf %add3A_93, %slice3A_21 : vector<1x8192xf32>
    %broadcast_in_dim3A_95 = arith.constant 0.000000e+00 : f32
    %broadcast_in_dim3A_96 = vector.broadcast %broadcast_in_dim3A_95 : f32 to vector<1x8192xf32>
    %add3A_97 = arith.addf %broadcast_in_dim3A_96, %slice3A_87 : vector<1x8192xf32>
    %add3A_98 = arith.addf %add3A_97, %slice3A_88 : vector<1x8192xf32>
    %add3A_99 = arith.addf %add3A_98, %slice3A_89 : vector<1x8192xf32>
    %broadcast_in_dim3A_100 = arith.constant 0.000000e+00 : f32
    %broadcast_in_dim3A_101 = vector.broadcast %broadcast_in_dim3A_100 : f32 to vector<1x8192xf32>
    %concatenate3A = tpu.concatenate %add3A_86, %add3A_92, %add3A_93, %add3A_94, %add3A_97, %add3A_98, %add3A_99, %broadcast_in_dim3A_101 in 0 : vector<1x8192xf32>, vector<1x8192xf32>, vector<1x8192xf32>, vector<1x8192xf32>, vector<1x8192xf32>, vector<1x8192xf32>, vector<1x8192xf32>, vector<1x8192xf32> -> vector<8x8192xf32>
    %swap3A = arith.constant 0 : index
    %swap3A_102 = arith.constant 0 : index
    %swap3A_103 = vector.load %arg1[%swap3A, %swap3A_102] : memref<8x8192xf32, #tpu.memory_space<vmem>>, vector<8x8192xf32>
    tpu.vector_store %arg1[%swap3A, %swap3A_102], %concatenate3A {strides = array<i32>} : memref<8x8192xf32, #tpu.memory_space<vmem>>, vector<8x8192xf32>,
    return
  }
}

</mosaic_0001>

<sc_bundles>
// kernel: kernel.5.cloned.1.call-start
scs
__scs_entry_jumppad:
0x0: {  	(pc) =	sbr.rel $0x88, $3  }
0x1: {  	(tag) =	ssettag $0x0;
	lr =	simm.s32 $0x1  }
0x2: {  	[smem:$0x3F9F] =	sst lr;
	_ =	strace $0xD0000000  }
0x3: {  	_ = 	snop  }
0x4: {  	_ = 	snop  }
0x5: {  	_ = 	snop  }
0x6: {  	_ = 	snop  }
0x7: {  	_ = 	snop  }
__scs_overlays_trampoline_lowered:
0x8: {  	[smem:$0x3FAE] =	sst s0  }
0x9: {  	[smem:$0x3FAF] =	sst s1  }
0xa: {  	[smem:$0x3FB0] =	sst s2  }
0xb: {  	[smem:$0x3FB1] =	sst s3  }
0xc: {  	[smem:$0x3FB2] =	sst s4  }
0xd: {  	[smem:$0x3FB3] =	sst s5  }
0xe: {  	[smem:$0x3FB4] =	sst s6  }
0xf: {  	[smem:$0x3FB5] =	sst s7  }
0x10: {  	[smem:$0x3FB6] =	sst s8  }
0x11: {  	[smem:$0x3FB7] =	sst s9;
	s0 =	simm.s32 @!p0 $0x0  }
0x12: {  	s1 =	sld [smem:$0x3F9D];
	s0 =	simm.s32 @p0 $0x1  }
0x13: {  	[smem:$0x3FB8] =	sst s0;
	s0 =	simm.s32 @!p1 $0x0  }
0x14: {  	s2 =	sld [smem:$0x3F9C];
	s0 =	simm.s32 @p1 $0x1  }
0x15: {  	[smem:$0x3FB9] =	sst s0;
	s0 =	simm.s32 @!p2 $0x0  }
0x16: {  	s3 =	sld [smem:$0x3FDB];
	s0 =	simm.s32 @p2 $0x1  }
0x17: {  	s4 =	simm.s32 $0x1BF5;
	[smem:$0x3FBB] =	sst s0  }
0x18: {  	s0 =	sld [smem:$0x3F9E];
	_ =	swait.ge [sflag:s4], $0x0  }
0x19: {  	s7 =	sld [smem:$0x3F9F]  }
0x1a: {  	s8 =	sadd.s32 $0xFFFFE003, lr  }
0x1b: {  	s9 =	sadd.s32 $0xFFFFFEF7, lr;
	s5 =	simm.s32 $0xFFFFFFFF;
	p2 =	slt.u32 s8, $0xFFFFF086  }
0x1c: {  	p1 =	slt.u32 s9, $0xF7A;
	s5 =	simm.s32 @!p2 $0x0  }
0x1d: {  	s5 =	simm.s32 @p1 $0x1;
	p0 =	seq.s32 s7, s2  }
0x1e: {  	s7 =	smul.u32 @!p0 $0xF7A, s2;
	p2 =	seq.s32 @!p0 s5, $0x0  }
0x1f: {  	s9 =	smul.u32 $0xF7A, s1;
	s8 =	simm.s32 @!p0 $0x1BF5;
	p2 =	por !p2, p0  }
0x20: {  	[sflag:s8] =	ssyncset.s32 @!p0 $0xFFFFF086;
	s6 =	sadd.s32 @!p0 s3, s7;
	s7 =	simm.s32 @!p0 $0x108  }
0x21: {  	s3 =	sadd.s32 s3, s9;
	s6 =	sadd.s32 @!p0 $0x88, s6;
	s7 =	simm.s32 @p2 $0x1082  }
0x22: {  	[simem:s7], [sflag:s8] =	dma.local @!p0 [hbm:s6], $0xF7A  }
0x23: {  	s9 =	sor.u32 $0xD0000000, s2;
	s6 =	simm.s32 $0x108;
	_ =	swait.ge @!p0 [sflag:s8], $0x0  }
0x24: {  	s3 =	sadd.s32 $0x88, s3;
	s6 =	simm.s32 @!p1 $0x1082;
	[sflag:s4] =	ssyncset.s32 $0xFFFFF086  }
0x25: {  	[simem:s6], [sflag:s4] =	dma.local [hbm:s3], $0xF7A  }
0x26: {  	[smem:$0x3F9F] =	sst s1;
	(tag) =	ssettag s2;
	_ =	strace s9  }
0x27: {  	s1 =	sld [smem:$0x3FAF]  }
0x28: {  	s2 =	sld [smem:$0x3FB0]  }
0x29: {  	s4 =	sld [smem:$0x3FB2]  }
0x2a: {  	p0 =	seq.s32 s5, $0x0;
	s5 =	sld [smem:$0x3FB3]  }
0x2b: {  	s6 =	sld [smem:$0x3FB4]  }
0x2c: {  	s7 =	sld [smem:$0x3FB5]  }
0x2d: {  	s3 =	simm.s32 $0x108;
	s8 =	sld [smem:$0x3FB6]  }
0x2e: {  	s3 =	simm.s32 @!p0 $0x1082;
	s9 =	sld [smem:$0x3FB7]  }
0x2f: {  	lr =	sadd.s32 s0, s3;
	s0 =	sld [smem:$0x3FAE]  }
0x30: {  	s3 =	sld [smem:$0x3FB1]  }
0x31: {  	[smem:$0x3FBA] =	sst s10  }
0x32: {  	s10 =	sld [smem:$0x3FB8];
	_ =	sdelay $0x3  }
0x33: {  	p0 =	seq.s32 s10, $0x1;
	s10 =	sld [smem:$0x3FBA];
	_ =	sdelay $0x3  }
0x34: {  	[smem:$0x3FBA] =	sst s10  }
0x35: {  	s10 =	sld [smem:$0x3FB9];
	_ =	sdelay $0x3  }
0x36: {  	p1 =	seq.s32 s10, $0x1;
	s10 =	sld [smem:$0x3FBA];
	_ =	sdelay $0x3  }
0x37: {  	[smem:$0x3FBA] =	sst s10  }
0x38: {  	s10 =	sld [smem:$0x3FBB]  }
0x39: {  	_ = 	snop;
	(pc) =	sbr.ind lr, $3  }
0x3a: {  	_ = 	snop  }
0x3b: {  	_ = 	snop  }
0x3c: {  	p2 =	seq.s32 s10, $0x1;
	s10 =	sld [smem:$0x3FBA]  }
0x3d: {  	_ =	shalt  }
0x3e: {  	_ =	shalt  }
0x3f: {  	_ =	shalt  }
0x40: {  	_ =	shalt  }
0x41: {  	_ =	shalt  }
0x42: {  	_ =	shalt  }
0x43: {  	_ =	shalt  }
0x44: {  	_ =	shalt  }
0x45: {  	_ =	shalt  }
0x46: {  	_ =	shalt  }
0x47: {  	_ =	shalt  }
0x48: {  	_ =	shalt  }
0x49: {  	_ =	shalt  }
0x4a: {  	_ =	shalt  }
0x4b: {  	_ =	shalt  }
0x4c: {  	_ =	shalt  }
0x4d: {  	_ =	shalt  }
0x4e: {  	_ =	shalt  }
0x4f: {  	_ =	shalt  }
0x50: {  	_ =	shalt  }
0x51: {  	_ =	shalt  }
0x52: {  	_ =	shalt  }
0x53: {  	_ =	shalt  }
0x54: {  	_ =	shalt  }
0x55: {  	_ =	shalt  }
0x56: {  	_ =	shalt  }
0x57: {  	_ =	shalt  }
0x58: {  	_ =	shalt  }
0x59: {  	_ =	shalt  }
0x5a: {  	_ =	shalt  }
0x5b: {  	_ =	shalt  }
0x5c: {  	_ =	shalt  }
0x5d: {  	_ =	shalt  }
0x5e: {  	_ =	shalt  }
0x5f: {  	_ =	shalt  }
0x60: {  	_ =	shalt  }
0x61: {  	_ =	shalt  }
0x62: {  	_ =	shalt  }
0x63: {  	_ =	shalt  }
0x64: {  	_ =	shalt  }
0x65: {  	_ =	shalt  }
0x66: {  	_ =	shalt  }
0x67: {  	_ =	shalt  }
0x68: {  	_ =	shalt  }
0x69: {  	_ =	shalt  }
0x6a: {  	_ =	shalt  }
0x6b: {  	_ =	shalt  }
0x6c: {  	_ =	shalt  }
0x6d: {  	_ =	shalt  }
0x6e: {  	_ =	shalt  }
0x6f: {  	_ =	shalt  }
0x70: {  	_ =	shalt  }
0x71: {  	_ =	shalt  }
0x72: {  	_ =	shalt  }
0x73: {  	_ =	shalt  }
0x74: {  	_ =	shalt  }
0x75: {  	_ =	shalt  }
0x76: {  	_ =	shalt  }
0x77: {  	_ =	shalt  }
0x78: {  	_ =	shalt  }
0x79: {  	_ =	shalt  }
0x7a: {  	_ =	shalt  }
0x7b: {  	_ =	shalt  }
0x7c: {  	_ =	shalt  }
0x7d: {  	_ =	shalt  }
0x7e: {  	_ =	shalt  }
0x7f: {  	_ =	shalt  }
0x80: {  	_ =	shalt  }
0x81: {  	_ =	shalt  }
0x82: {  	_ =	shalt  }
0x83: {  	_ =	shalt  }
0x84: {  	_ =	shalt  }
0x85: {  	_ =	shalt  }
0x86: {  	_ =	shalt  }
0x87: {  	_ =	shalt  }
.Lfunc_end0:
.L_simem_size_0:
called_computation_lowered:
.L_overlay_start_0:
0x88: {  	s0 =	sld [smem:$0x3FD9]  }
0x89: {  	s1 =	sld [smem:$0x3FFE];
	_ =	sdelay $0x3  }
0x8a: {  	s0 =	sadd.s32 s1, s0  }
0x8b: {  	[smem:$0x3FC6] =	sst s0  }
0x8c: {  	_ = 	snop  }
0x8d: {  	s0 =	sld [smem:$0x3FC8];
	(tm) =	ssettm $0x1  }
0x8e: {  	s16 =	sld [smem:$0x3FFB];
	_ =	sdelay $0x3  }
0x8f: {  	_ =	strace s16  }
0x90: {  	s1 =	sld [smem:$0x3FFC];
	_ =	sdelay $0x3  }
0x91: {  	_ =	strace s1  }
0x92: {  	s1 =	sld [smem:$0x3FFD];
	_ =	sdelay $0x3  }
0x93: {  	_ =	strace s1  }
0x94: {  	_ =	strace $0x8FFFFFFF  }
0x95: {  	s17 =	sld [smem:$0x3FDB];
	_ =	sdelay $0x1  }
0x96: {  	s2 =	simm.s32 $_scs_section_size  }
0x97: {  	s3 =	simm.s32 $_size__tile_overlayer_lowered;
	s4 =	simm.s32 $_tile_overlayer_lowered  }
0x98: {  	s20 =	simm.s32 $0x1BFF;
	s19 =	sshll.u32 s4, $0x1;
	s1 =	sadd.s32 s2, s17  }
0x99: {  	s5 =	simm.s32 $0x0;
	s18 =	sshll.u32 s3, $0x1;
	s3 =	sadd.s32 s19, s1  }
0x9a: {  	[timem:s5], [sflag:s20] =	dma.local [hbm:s3], s18  }
0x9b: {  	_ =	swait.ge [sflag:s20], s18  }
0x9c: {  	s2 =	ssub.s32 $0x0, s18;
	[sflag:s20] =	ssyncset.done $0x0  }
0x9d: {  	[sflag:s20] =	ssyncadd.s32 s2;
	_ =	sdelay $0x1  }
0x9e: {  	s21 =	simm.s32 $0x1B8B  }
0x9f: {  	_ =	swait.ge [sflag:s21], $0x1  }
0xa0: {  	[sflag:s21] =	ssyncset.done $0x0  }
0xa1: {  	s23 =	simm.s32 $0x1B8E;
	s22 =	sld [smem:$0x3FFE];
	[sflag:s21] =	ssyncadd.s32 $0xFFFFFFFF  }
0xa2: {  	s24 =	simm.s32 $execute0_lowered;
	[smem:$0x3FD2] =	sst s23  }
0xa3: {  	s3 =	sshll.u32 s24, $0x1;
	_ =	strace $0x80000046;
	[dreg:$0x1] =	wrdreg $0xFFFFFFFF  }
0xa4: {  	s25 =	simm.s32 $_size_execute0_lowered;
	s1 =	sadd.s32 s1, s3;
	[dreg:$0x0] =	wrdreg $0x0  }
0xa5: {  	s3 =	sshll.u32 s25, $0x1;
	[dreg:$0x2] =	wrdreg s1  }
0xa6: {  	[dreg:$0x3] =	wrdreg s3  }
0xa7: {  	[dreg:$0x4] =	wrdreg $0xC0  }
0xa8: {  	_ =	task [dreg:s5], $0x5FFFF  }
0xa9: {  	[dreg:$0x1] =	wrdreg $0xFFFFFFFF  }
0xaa: {  	[dreg:$0x0] =	wrdreg $0x60  }
0xab: {  	[dreg:$0x2] =	wrdreg s0  }
0xac: {  	[dreg:$0x3] =	wrdreg s22  }
0xad: {  	[dreg:$0x4] =	wrdreg $0x9  }
0xae: {  	_ =	task.clear_ibuf [dreg:s5], $0x5FFFF;
	_ =	strace $0x90000046  }
0xaf: {  	s26 =	simm.s32 $0x9;
	_ =	strace $0x80000048  }
0xb0: {  	_ =	swait.ge [sflag:s26], $0x1  }
0xb1: {  	[sflag:s26] =	ssyncadd.s32 $0xFFFFFFFF  }
0xb2: {  	_ =	strace $0x90000048  }
0xb3: {  	_ =	sfence  }
0xb4: {  	s28 =	sld [smem:$0x0];
	_ =	sdelay $0x1  }
0xb5: {  	s29 =	srdreg.scid  }
0xb6: {  	s30 =	sshll.u32 s29, $0xD;
	s31 =	sshrl.u32 s29, $0x2  }
0xb7: {  	s2 =	sand.u32 $0x4000, s30;
	s1 =	sand.u32 $0x1, s29;
	s0 =	sadd.s32 s31, s28  }
0xb8: {  	s1 =	sor.u32 s2, s1;
	s0 =	sshll.u32 s0, $0x11  }
0xb9: {  	s0 =	sor.u32 s0, s1  }
0xba: {  	s0 =	sadd.s32 $0x8F2B, s0  }
0xbb: {  	[sflag:s0] =	ssyncadd.remote.s32 $0x1  }
0xbc: {  	_ =	sfence.sel $0xFFFF  }
0xbd: {  	[dreg:$0x0] =	wrdreg $0xFFFFFFFF;
	(pc) =	sbr.abs _section_cstart, $3  }
0xbe: {  	[dreg:$0x1] =	wrdreg $0xFFFFFFFF  }
0xbf: {  	_ =	task.clear_ibuf [dreg:s5], $0x2FFFF;
	_ =	strace $0x9FFFFFFF  }
0xc0: {  	(tm) =	ssettm $0x7FFFFFFF  }
0xc1: {  	_ =	shalt  }
tec
execute0_lowered:
.L_overlay_start_1:
0x0: {  	(tag) =	ssettag $0x1  }
0x1: {  	s1 =	stileid.u32  }
0x2: {  	p0 =	sgt.u32 s1, $0x1  }
.Ltmp0:
0x3: {  	_ = 	snop;
	(pc) =	sbr.rel @p0 .LBB2_4-.Ltmp0, $4  }
0x4: {  	s3 =	rddreg [dreg:$0x0]  }
0x5: {  	s2 =	rddreg [dreg:$0x1];
	s4 =	simm.s32 $0x0  }
0x6: {  	[smem:$0x7FF] =	sst s4  }
0x7: {  	s0 =	rddreg [dreg:$0x2];
	_ =	strace $0x80000047  }
0x8: {  	s5 =	sshll.u32 s1, $0x4  }
0x9: {  	s31 =	simm.s32 $0x1;
	s3 =	sadd.s32 s3, s5  }
0xa: {  	[tilespmem:s4], [sflag:$0x1] =	stream.linear.gather [hbm4b:s3+s4], $0x80, $0x38;
	[tilespmem:$0x2080] =	vst v63  }
0xb: {  	s2 =	sadd.s32 s5, s2;
	_ =	swait.ge [sflag:s31], $0x80  }
0xc: {  	s2 =	sadd.s32 $0xA00, s2;
	[sflag:s31] =	ssyncset.done $0x0  }
0xd: {  	v0 =	vimm.f32 $0.0e+00;
	s3 =	simm.s32 $0x0;
	s4 =	simm.s32 $0x200;
	[sflag:s31] =	ssyncadd.s32 $0xFFFFFF80  }
.LBB2_2:
0xe: {  	p0 =	sne.s32 s4, $0x7E00;
	[tilespmem:s3+$0xF0] =	vst v0  }
0xf: {  	[tilespmem:s3+$0x80] =	vst v0  }
0x10: {  	[tilespmem:s3+$0x90] =	vst v0  }
.Ltmp1:
0x11: {  	[tilespmem:s3+$0xA0] =	vst v0;
	(pc) =	sbr.rel @p0 .LBB2_2-.Ltmp1, $4  }
0x12: {  	[tilespmem:s3+$0xB0] =	vst v0  }
0x13: {  	[tilespmem:s3+$0xC0] =	vst v0  }
0x14: {  	[tilespmem:s3+$0xD0] =	vst v0  }
0x15: {  	[tilespmem:s3+$0xE0] =	vst v0;
	s3 =	sshra.s32 s4, $0x2;
	s4 =	sadd.s32 $0x200, s4  }
0x16: {  	[tilespmem:s3+$0xF0] =	vst v0  }
0x17: {  	[tilespmem:s3+$0x80] =	vst v0  }
0x18: {  	[tilespmem:s3+$0x90] =	vst v0  }
0x19: {  	[tilespmem:s3+$0xA0] =	vst v0  }
0x1a: {  	[tilespmem:s3+$0xB0] =	vst v0  }
0x1b: {  	[tilespmem:s3+$0xC0] =	vst v0  }
0x1c: {  	[tilespmem:s3+$0xD0] =	vst v0  }
0x1d: {  	[tilespmem:s3+$0xE0] =	vst v0  }
0x1e: {  	v1 =	vld [tilespmem:$0x0];
	_ =	sdelay $0x2  }
0x1f: {  	vm0 =	vcmask $0x704  }
0x20: {  	vm1 =	vcmask $0xB08  }
0x21: {  	vm2 =	vcmask $0xF0C  }
0x22: {  	vm3 =	vcmask $0x1310  }
0x23: {  	v63 =	vimm.f32 $1.000000000e+00;
	s30 =	simm.s32 $0x80;
	vm4 =	vcmask $0x1714  }
0x24: {  	vm5 =	vcmask $0x1B18;
	[tilespmem:v1+s30+$0x0] =	vst.idx.add.f32.msk $0x1, v63  }
0x25: {  	vm6 =	vcmask $0x1F1C;
	[tilespmem:v1+s30+$0x0] =	vst.idx.add.f32.msk vm0, v63  }
0x26: {  	vm7 =	vcmask $0x2320;
	[tilespmem:v1+s30+$0x0] =	vst.idx.add.f32.msk vm1, v63  }
0x27: {  	vm8 =	vcmask $0x2724;
	[tilespmem:v1+s30+$0x0] =	vst.idx.add.f32.msk vm2, v63  }
0x28: {  	vm9 =	vcmask $0x2B28;
	[tilespmem:v1+s30+$0x0] =	vst.idx.add.f32.msk vm3, v63  }
0x29: {  	vm10 =	vcmask $0x2F2C;
	[tilespmem:v1+s30+$0x0] =	vst.idx.add.f32.msk vm4, v63  }
0x2a: {  	vm11 =	vcmask $0x3330;
	[tilespmem:v1+s30+$0x0] =	vst.idx.add.f32.msk vm5, v63  }
0x2b: {  	vm12 =	vcmask $0x3734;
	[tilespmem:v1+s30+$0x0] =	vst.idx.add.f32.msk vm6, v63  }
0x2c: {  	vm13 =	vcmask $0x3B38;
	[tilespmem:v1+s30+$0x0] =	vst.idx.add.f32.msk vm7, v63  }
0x2d: {  	vm14 =	vcmask $0x3F3C;
	[tilespmem:v1+s30+$0x0] =	vst.idx.add.f32.msk vm8, v63  }
0x2e: {  	[tilespmem:v1+s30+$0x0] =	vst.idx.add.f32.msk vm9, v63  }
0x2f: {  	[tilespmem:v1+s30+$0x0] =	vst.idx.add.f32.msk vm10, v63  }
0x30: {  	[tilespmem:v1+s30+$0x0] =	vst.idx.add.f32.msk vm11, v63  }
0x31: {  	[tilespmem:v1+s30+$0x0] =	vst.idx.add.f32.msk vm12, v63  }
0x32: {  	[tilespmem:v1+s30+$0x0] =	vst.idx.add.f32.msk vm13, v63  }
0x33: {  	[tilespmem:v1+s30+$0x0] =	vst.idx.add.f32.msk vm14, v63  }
0x34: {  	v1 =	vld [tilespmem:$0x10];
	_ =	sdelay $0x7  }
0x35: {  	[tilespmem:v1+s30+$0x0] =	vst.idx.add.f32.msk $0x1, v63  }
0x36: {  	[tilespmem:v1+s30+$0x0] =	vst.idx.add.f32.msk vm0, v63  }
0x37: {  	[tilespmem:v1+s30+$0x0] =	vst.idx.add.f32.msk vm1, v63  }
0x38: {  	[tilespmem:v1+s30+$0x0] =	vst.idx.add.f32.msk vm2, v63  }
0x39: {  	[tilespmem:v1+s30+$0x0] =	vst.idx.add.f32.msk vm3, v63  }
0x3a: {  	[tilespmem:v1+s30+$0x0] =	vst.idx.add.f32.msk vm4, v63  }
0x3b: {  	[tilespmem:v1+s30+$0x0] =	vst.idx.add.f32.msk vm5, v63  }
0x3c: {  	[tilespmem:v1+s30+$0x0] =	vst.idx.add.f32.msk vm6, v63  }
0x3d: {  	[tilespmem:v1+s30+$0x0] =	vst.idx.add.f32.msk vm7, v63  }
0x3e: {  	[tilespmem:v1+s30+$0x0] =	vst.idx.add.f32.msk vm8, v63  }
0x3f: {  	[tilespmem:v1+s30+$0x0] =	vst.idx.add.f32.msk vm9, v63  }
0x40: {  	[tilespmem:v1+s30+$0x0] =	vst.idx.add.f32.msk vm10, v63  }
0x41: {  	[tilespmem:v1+s30+$0x0] =	vst.idx.add.f32.msk vm11, v63  }
0x42: {  	[tilespmem:v1+s30+$0x0] =	vst.idx.add.f32.msk vm12, v63  }
0x43: {  	[tilespmem:v1+s30+$0x0] =	vst.idx.add.f32.msk vm13, v63  }
0x44: {  	[tilespmem:v1+s30+$0x0] =	vst.idx.add.f32.msk vm14, v63  }
0x45: {  	v1 =	vld [tilespmem:$0x20];
	_ =	sdelay $0x7  }
0x46: {  	[tilespmem:v1+s30+$0x0] =	vst.idx.add.f32.msk $0x1, v63  }
0x47: {  	[tilespmem:v1+s30+$0x0] =	vst.idx.add.f32.msk vm0, v63  }
0x48: {  	[tilespmem:v1+s30+$0x0] =	vst.idx.add.f32.msk vm1, v63  }
0x49: {  	[tilespmem:v1+s30+$0x0] =	vst.idx.add.f32.msk vm2, v63  }
0x4a: {  	[tilespmem:v1+s30+$0x0] =	vst.idx.add.f32.msk vm3, v63  }
0x4b: {  	[tilespmem:v1+s30+$0x0] =	vst.idx.add.f32.msk vm4, v63  }
0x4c: {  	[tilespmem:v1+s30+$0x0] =	vst.idx.add.f32.msk vm5, v63  }
0x4d: {  	[tilespmem:v1+s30+$0x0] =	vst.idx.add.f32.msk vm6, v63  }
0x4e: {  	[tilespmem:v1+s30+$0x0] =	vst.idx.add.f32.msk vm7, v63  }
0x4f: {  	[tilespmem:v1+s30+$0x0] =	vst.idx.add.f32.msk vm8, v63  }
0x50: {  	[tilespmem:v1+s30+$0x0] =	vst.idx.add.f32.msk vm9, v63  }
0x51: {  	[tilespmem:v1+s30+$0x0] =	vst.idx.add.f32.msk vm10, v63  }
0x52: {  	[tilespmem:v1+s30+$0x0] =	vst.idx.add.f32.msk vm11, v63  }
0x53: {  	[tilespmem:v1+s30+$0x0] =	vst.idx.add.f32.msk vm12, v63  }
0x54: {  	[tilespmem:v1+s30+$0x0] =	vst.idx.add.f32.msk vm13, v63  }
0x55: {  	[tilespmem:v1+s30+$0x0] =	vst.idx.add.f32.msk vm14, v63  }
0x56: {  	v1 =	vld [tilespmem:$0x30];
	_ =	sdelay $0x7  }
0x57: {  	[tilespmem:v1+s30+$0x0] =	vst.idx.add.f32.msk $0x1, v63  }
0x58: {  	[tilespmem:v1+s30+$0x0] =	vst.idx.add.f32.msk vm0, v63  }
0x59: {  	[tilespmem:v1+s30+$0x0] =	vst.idx.add.f32.msk vm1, v63  }
0x5a: {  	[tilespmem:v1+s30+$0x0] =	vst.idx.add.f32.msk vm2, v63  }
0x5b: {  	[tilespmem:v1+s30+$0x0] =	vst.idx.add.f32.msk vm3, v63  }
0x5c: {  	[tilespmem:v1+s30+$0x0] =	vst.idx.add.f32.msk vm4, v63  }
0x5d: {  	[tilespmem:v1+s30+$0x0] =	vst.idx.add.f32.msk vm5, v63  }
0x5e: {  	[tilespmem:v1+s30+$0x0] =	vst.idx.add.f32.msk vm6, v63  }
0x5f: {  	[tilespmem:v1+s30+$0x0] =	vst.idx.add.f32.msk vm7, v63  }
0x60: {  	[tilespmem:v1+s30+$0x0] =	vst.idx.add.f32.msk vm8, v63  }
0x61: {  	[tilespmem:v1+s30+$0x0] =	vst.idx.add.f32.msk vm9, v63  }
0x62: {  	[tilespmem:v1+s30+$0x0] =	vst.idx.add.f32.msk vm10, v63  }
0x63: {  	[tilespmem:v1+s30+$0x0] =	vst.idx.add.f32.msk vm11, v63  }
0x64: {  	[tilespmem:v1+s30+$0x0] =	vst.idx.add.f32.msk vm12, v63  }
0x65: {  	[tilespmem:v1+s30+$0x0] =	vst.idx.add.f32.msk vm13, v63  }
0x66: {  	[tilespmem:v1+s30+$0x0] =	vst.idx.add.f32.msk vm14, v63  }
0x67: {  	v1 =	vld [tilespmem:$0x40];
	_ =	sdelay $0x7  }
0x68: {  	[tilespmem:v1+s30+$0x0] =	vst.idx.add.f32.msk $0x1, v63  }
0x69: {  	[tilespmem:v1+s30+$0x0] =	vst.idx.add.f32.msk vm0, v63  }
0x6a: {  	[tilespmem:v1+s30+$0x0] =	vst.idx.add.f32.msk vm1, v63  }
0x6b: {  	[tilespmem:v1+s30+$0x0] =	vst.idx.add.f32.msk vm2, v63  }
0x6c: {  	[tilespmem:v1+s30+$0x0] =	vst.idx.add.f32.msk vm3, v63  }
0x6d: {  	[tilespmem:v1+s30+$0x0] =	vst.idx.add.f32.msk vm4, v63  }
0x6e: {  	[tilespmem:v1+s30+$0x0] =	vst.idx.add.f32.msk vm5, v63  }
0x6f: {  	[tilespmem:v1+s30+$0x0] =	vst.idx.add.f32.msk vm6, v63  }
0x70: {  	[tilespmem:v1+s30+$0x0] =	vst.idx.add.f32.msk vm7, v63  }
0x71: {  	[tilespmem:v1+s30+$0x0] =	vst.idx.add.f32.msk vm8, v63  }
0x72: {  	[tilespmem:v1+s30+$0x0] =	vst.idx.add.f32.msk vm9, v63  }
0x73: {  	[tilespmem:v1+s30+$0x0] =	vst.idx.add.f32.msk vm10, v63  }
0x74: {  	[tilespmem:v1+s30+$0x0] =	vst.idx.add.f32.msk vm11, v63  }
0x75: {  	[tilespmem:v1+s30+$0x0] =	vst.idx.add.f32.msk vm12, v63  }
0x76: {  	[tilespmem:v1+s30+$0x0] =	vst.idx.add.f32.msk vm13, v63  }
0x77: {  	[tilespmem:v1+s30+$0x0] =	vst.idx.add.f32.msk vm14, v63  }
0x78: {  	v1 =	vld [tilespmem:$0x50];
	_ =	sdelay $0x7  }
0x79: {  	[tilespmem:v1+s30+$0x0] =	vst.idx.add.f32.msk $0x1, v63  }
0x7a: {  	[tilespmem:v1+s30+$0x0] =	vst.idx.add.f32.msk vm0, v63  }
0x7b: {  	[tilespmem:v1+s30+$0x0] =	vst.idx.add.f32.msk vm1, v63  }
0x7c: {  	[tilespmem:v1+s30+$0x0] =	vst.idx.add.f32.msk vm2, v63  }
0x7d: {  	[tilespmem:v1+s30+$0x0] =	vst.idx.add.f32.msk vm3, v63  }
0x7e: {  	[tilespmem:v1+s30+$0x0] =	vst.idx.add.f32.msk vm4, v63  }
0x7f: {  	[tilespmem:v1+s30+$0x0] =	vst.idx.add.f32.msk vm5, v63  }
0x80: {  	[tilespmem:v1+s30+$0x0] =	vst.idx.add.f32.msk vm6, v63  }
0x81: {  	[tilespmem:v1+s30+$0x0] =	vst.idx.add.f32.msk vm7, v63  }
0x82: {  	[tilespmem:v1+s30+$0x0] =	vst.idx.add.f32.msk vm8, v63  }
0x83: {  	[tilespmem:v1+s30+$0x0] =	vst.idx.add.f32.msk vm9, v63  }
0x84: {  	[tilespmem:v1+s30+$0x0] =	vst.idx.add.f32.msk vm10, v63  }
0x85: {  	[tilespmem:v1+s30+$0x0] =	vst.idx.add.f32.msk vm11, v63  }
0x86: {  	[tilespmem:v1+s30+$0x0] =	vst.idx.add.f32.msk vm12, v63  }
0x87: {  	[tilespmem:v1+s30+$0x0] =	vst.idx.add.f32.msk vm13, v63  }
0x88: {  	[tilespmem:v1+s30+$0x0] =	vst.idx.add.f32.msk vm14, v63  }
0x89: {  	v1 =	vld [tilespmem:$0x60];
	_ =	sdelay $0x7  }
0x8a: {  	[tilespmem:v1+s30+$0x0] =	vst.idx.add.f32.msk $0x1, v63  }
0x8b: {  	[tilespmem:v1+s30+$0x0] =	vst.idx.add.f32.msk vm0, v63  }
0x8c: {  	[tilespmem:v1+s30+$0x0] =	vst.idx.add.f32.msk vm1, v63  }
0x8d: {  	[tilespmem:v1+s30+$0x0] =	vst.idx.add.f32.msk vm2, v63  }
0x8e: {  	[tilespmem:v1+s30+$0x0] =	vst.idx.add.f32.msk vm3, v63  }
0x8f: {  	[tilespmem:v1+s30+$0x0] =	vst.idx.add.f32.msk vm4, v63  }
0x90: {  	[tilespmem:v1+s30+$0x0] =	vst.idx.add.f32.msk vm5, v63  }
0x91: {  	[tilespmem:v1+s30+$0x0] =	vst.idx.add.f32.msk vm6, v63  }
0x92: {  	[tilespmem:v1+s30+$0x0] =	vst.idx.add.f32.msk vm7, v63  }
0x93: {  	[tilespmem:v1+s30+$0x0] =	vst.idx.add.f32.msk vm8, v63  }
0x94: {  	[tilespmem:v1+s30+$0x0] =	vst.idx.add.f32.msk vm9, v63  }
0x95: {  	[tilespmem:v1+s30+$0x0] =	vst.idx.add.f32.msk vm10, v63  }
0x96: {  	[tilespmem:v1+s30+$0x0] =	vst.idx.add.f32.msk vm11, v63  }
0x97: {  	[tilespmem:v1+s30+$0x0] =	vst.idx.add.f32.msk vm12, v63  }
0x98: {  	[tilespmem:v1+s30+$0x0] =	vst.idx.add.f32.msk vm13, v63  }
0x99: {  	[tilespmem:v1+s30+$0x0] =	vst.idx.add.f32.msk vm14, v63  }
0x9a: {  	v1 =	vld [tilespmem:$0x70];
	_ =	sdelay $0x7  }
0x9b: {  	[tilespmem:v1+s30+$0x0] =	vst.idx.add.f32.msk $0x1, v63  }
0x9c: {  	[tilespmem:v1+s30+$0x0] =	vst.idx.add.f32.msk vm0, v63  }
0x9d: {  	[tilespmem:v1+s30+$0x0] =	vst.idx.add.f32.msk vm1, v63  }
0x9e: {  	[tilespmem:v1+s30+$0x0] =	vst.idx.add.f32.msk vm2, v63  }
0x9f: {  	[tilespmem:v1+s30+$0x0] =	vst.idx.add.f32.msk vm3, v63  }
0xa0: {  	[tilespmem:v1+s30+$0x0] =	vst.idx.add.f32.msk vm4, v63  }
0xa1: {  	[tilespmem:v1+s30+$0x0] =	vst.idx.add.f32.msk vm5, v63  }
0xa2: {  	[tilespmem:v1+s30+$0x0] =	vst.idx.add.f32.msk vm6, v63  }
0xa3: {  	[tilespmem:v1+s30+$0x0] =	vst.idx.add.f32.msk vm7, v63  }
0xa4: {  	[tilespmem:v1+s30+$0x0] =	vst.idx.add.f32.msk vm8, v63  }
0xa5: {  	[tilespmem:v1+s30+$0x0] =	vst.idx.add.f32.msk vm9, v63  }
0xa6: {  	[tilespmem:v1+s30+$0x0] =	vst.idx.add.f32.msk vm10, v63  }
0xa7: {  	[tilespmem:v1+s30+$0x0] =	vst.idx.add.f32.msk vm11, v63  }
0xa8: {  	[tilespmem:v1+s30+$0x0] =	vst.idx.add.f32.msk vm12, v63  }
0xa9: {  	[tilespmem:v1+s30+$0x0] =	vst.idx.add.f32.msk vm13, v63  }
0xaa: {  	s4 =	simm.s32 $0x100;
	s31 =	simm.s32 $0x1;
	[tilespmem:v1+s30+$0x0] =	vst.idx.add.f32.msk vm14, v63  }
0xab: {  	[hbm4b:s2+s30] =	stream.strided.scatter [tilespmem:s30], [sflag:$0x1], $0x2000, s4, s30, $0x38;
	[tilespmem:$0x2080] =	vst v63  }
0xac: {  	_ =	swait.ge [sflag:s31], $0x2000  }
0xad: {  	[sflag:s31] =	ssyncset.done $0x0  }
0xae: {  	[sflag:s31] =	ssyncadd.s32 $0xFFFFE000  }
.LBB2_4:
0xaf: {  	_ =	sfence.sel $0x180000  }
0xb0: {  	[bflag:$0x0] =	sbarrier.arrive $0xFFFF  }
0xb1: {  	p0 =	sne.s32 s1, $0x0;
	_ =	strace $0x90000047  }
0xb2: {  	s0 =	sadd.s32 @!p0 $0x100000, s0;
	[bflag:$0x2] =	sbarrier.arrive $0xFFFF  }
0xb3: {  	[sflag:s0] =	ssyncadd.tile.s32 @!p0 $0x1;
	_ =	shalt  }
.Lfunc_end2:
_tile_overlayer_lowered:
.L_overlay_start_2:
0xb4: {  	(tag) =	ssettag $0x2  }
0xb5: {  	s0 =	rddreg [dreg:$0x0];
	s2 =	stileid.u32  }
0xb6: {  	s1 =	rddreg [dreg:$0x1];
	p0 =	sne.s32 s2, $0x0  }
0xb7: {  	s3 =	rddreg [dreg:$0x2];
	[bflag:$0x3] =	sbarrier.arrive $0xFFFF;
	s2 =	simm.s32 @!p0 $0x1C01  }
0xb8: {  	[timem:s3], [sflag:s2] =	dma.local @!p0 [hbm:s0], s1  }
0xb9: {  	s0 =	simm.s32 @!p0 $0x1  }
0xba: {  	_ =	swait.ge @!p0 [sflag:s0], s1  }
0xbb: {  	s1 =	ssub.s32 @!p0 $0x0, s1;
	[sflag:s0] =	ssyncset.done @!p0 $0x0  }
0xbc: {  	[sflag:s0] =	ssyncadd.s32 @!p0 s1  }
0xbd: {  	[bflag:$0x3] =	sbarrier.arrive $0xFFFF  }
0xbe: {  	_ =	shalt  }

</sc_bundles>
